<compile_context>
chip_gen: v7x
topology: tpu7x:2x2x1
jax: 0.10.2.dev20260603
libtpu: 0.0.44.dev20260713+nightly
codegen_flags: <defaults>
</compile_context>

<pallas_src>
import functools

import jax
import jax.numpy as jnp
from jax import lax
from jax.experimental import pallas as pl
from jax.experimental.pallas import tpu as pltpu
from jax.experimental.pallas import tpu_sc as plsc

_NC = 2
_NS = 16
_NW = _NC * _NS
_L = 16
_CHUNK = 128


def _sc_agg(n_pad, width, n_chunks):
  rows_per_sub = n_pad // _NS
  mesh = plsc.VectorSubcoreMesh(core_axis_name="c", subcore_axis_name="s")

  @functools.partial(
      pl.kernel,
      out_type=(
          jax.ShapeDtypeStruct((_NC, n_pad, width), jnp.float32),
          jax.ShapeDtypeStruct((_NW * n_pad,), jnp.float32),
      ),
      mesh=mesh,
      compiler_params=pltpu.CompilerParams(needs_layout_passes=False,
                                           disable_bounds_checks=True),
      scratch_types=[
          pltpu.VMEM((n_chunks, _CHUNK), jnp.int32),
          pltpu.VMEM((n_chunks, _CHUNK), jnp.int32),
          pltpu.VMEM((_CHUNK, width), jnp.float32),
          pltpu.VMEM((n_pad,), jnp.float32),
          pltpu.VMEM_SHARED((n_pad, width), jnp.float32),
          pltpu.SemaphoreType.DMA,
          pltpu.SemaphoreType.DMA,
      ],
  )
  def k(src_hbm, dst_hbm, tab_hbm, z2_hbm,
        out_acc, out_degp, sidx_v, didx_v, rows_v, deg_v, acc_s, sem, isem):
    c = lax.axis_index("c")
    s = lax.axis_index("s")
    wid = s * _NC + c
    row0 = s * rows_per_sub

    pltpu.async_copy(src_hbm.at[wid], sidx_v, isem)
    pltpu.async_copy(dst_hbm.at[wid], didx_v, isem)
    pltpu.sync_copy(z2_hbm, acc_s.at[pl.ds(row0, rows_per_sub)])

    def zbody(i, carry):
      deg_v[pl.ds(i * _L, _L)] = jnp.zeros((_L,), jnp.float32)
      return carry

    lax.fori_loop(0, n_pad // _L, zbody, 0)
    pltpu.make_async_copy(src_hbm.at[0], sidx_v, isem).wait()
    pltpu.make_async_copy(dst_hbm.at[0], didx_v, isem).wait()
    plsc.subcore_barrier()

    ones = jnp.ones((_L,), jnp.float32)

    def body(i, carry):
      cp = pltpu.async_copy(tab_hbm.at[sidx_v.at[i]], rows_v, sem)
      for kk in range(_CHUNK // _L):
        idx = didx_v[i, pl.ds(kk * _L, _L)]
        plsc.addupdate_scatter(deg_v, [idx], ones)
      cp.wait()
      pltpu.sync_copy(rows_v, acc_s.at[didx_v.at[i]], add=True)
      return carry

    lax.fori_loop(0, n_chunks, body, 0)
    plsc.subcore_barrier()

    pltpu.sync_copy(acc_s.at[pl.ds(row0, rows_per_sub)],
                    out_acc.at[c, pl.ds(row0, rows_per_sub)])
    pltpu.sync_copy(deg_v, out_degp.at[pl.ds(wid * n_pad, n_pad)])

  return k


def _combine(h, a0, a1, dp, w_self, w_neigh, bias, relu):
  n, d_in = h.shape
  d_out = w_self.shape[1]
  blk = 1000
  grid = n // blk

  def body(h_r, a0_r, a1_r, dp_r, ws_r, wn_r, b_r, o_r):
    deg = jnp.sum(dp_r[...], axis=1, keepdims=True)
    r = 1.0 / jnp.maximum(deg, 1.0)
    agg = (a0_r[...] + a1_r[...]) * r
    o = (jnp.dot(h_r[...], ws_r[...], preferred_element_type=jnp.float32)
         + jnp.dot(agg, wn_r[...], preferred_element_type=jnp.float32)
         + b_r[...])
    o_r[...] = jnp.maximum(o, 0.0) if relu else o

  return pl.pallas_call(
      body,
      grid=(grid,),
      in_specs=[
          pl.BlockSpec((blk, d_in), lambda i: (i, 0)),
          pl.BlockSpec((blk, d_in), lambda i: (i, 0)),
          pl.BlockSpec((blk, d_in), lambda i: (i, 0)),
          pl.BlockSpec((blk, _NW), lambda i: (i, 0)),
          pl.BlockSpec((d_in, d_out), lambda i: (0, 0)),
          pl.BlockSpec((d_in, d_out), lambda i: (0, 0)),
          pl.BlockSpec((1, d_out), lambda i: (0, 0)),
      ],
      out_specs=pl.BlockSpec((blk, d_out), lambda i: (i, 0)),
      out_shape=jax.ShapeDtypeStruct((n, d_out), jnp.float32),
  )(h, a0, a1, dp, w_self, w_neigh, bias)


def kernel(x, W_self_0, W_neigh_0, b_0, W_self_1, W_neigh_1, b_1,
           W_self_2, W_neigh_2, b_2, edge_index_0, edge_index_1, edge_index_2):
  n, d = x.shape
  e = edge_index_0.shape[1]
  n_pad = ((n + 8 + 16 * _NS * 8 - 1) // (16 * _NS * 8)) * (16 * _NS * 8)
  step = _NW * _CHUNK
  e_pad = ((e + step - 1) // step) * step
  n_chunks = e_pad // step
  rows_per_sub = n_pad // _NS

  z2 = jnp.zeros((rows_per_sub, d), jnp.float32)
  pad_e = e_pad - e
  agg_fn = _sc_agg(n_pad, d, n_chunks)

  def seg_sum_parts(h_tab, edge_index):
    src = jnp.concatenate(
        [edge_index[0], jnp.zeros((pad_e,), jnp.int32)]).reshape(
            _NW, n_chunks, _CHUNK)
    dst = jnp.concatenate(
        [edge_index[1], jnp.full((pad_e,), n, jnp.int32)]).reshape(
            _NW, n_chunks, _CHUNK)
    acc, degp = agg_fn(src, dst, h_tab, z2)
    dp = jnp.transpose(degp.reshape(_NW, n_pad))[:n]
    return acc[0, :n], acc[1, :n], dp

  a0, a1, dp = seg_sum_parts(x, edge_index_0)
  h = _combine(x, a0, a1, dp, W_self_0, W_neigh_0, b_0.reshape(1, -1), relu=True)
  a0, a1, dp = seg_sum_parts(h, edge_index_1)
  h = _combine(h, a0, a1, dp, W_self_1, W_neigh_1, b_1.reshape(1, -1), relu=True)
  d_out = W_self_2.shape[1]
  ws2 = jnp.pad(W_self_2, ((0, 0), (0, d - d_out)))
  wn2 = jnp.pad(W_neigh_2, ((0, 0), (0, d - d_out)))
  b2 = jnp.pad(b_2, (0, d - d_out)).reshape(1, -1)
  a0, a1, dp = seg_sum_parts(h, edge_index_2)
  out = _combine(h, a0, a1, dp, ws2, wn2, b2, relu=False)
  return out[:, :d_out]

# --- scband reference (transcript-rebuilt; emitter-appended) ---
"""Pipeline reference for scband-graph-sagecluster-blocks-28707561407284 (READ-ONLY COPY).

The authoritative reference and input builder live on the scoring server;
editing this copy changes nothing except your own understanding.
"""

import jax, jax.numpy as jnp
import numpy as np

N = 10000
E = 320000
D_IN = 128
D_H = 128
N_CLS = 47


def setup_inputs(seed: int = 0) -> dict:
    key = jax.random.key(seed)
    ks = jax.random.split(key, 16)
    x = jax.random.normal(ks[0], (N, D_IN), dtype=jnp.float32)
    edge_index_0 = jax.random.randint(ks[1], (2, E), 0, N, dtype=jnp.int32)
    edge_index_1 = jax.random.randint(ks[2], (2, E), 0, N, dtype=jnp.int32)
    edge_index_2 = jax.random.randint(ks[3], (2, E), 0, N, dtype=jnp.int32)
    def lin(k, fan_in, fan_out):
        return jax.random.normal(k, (fan_in, fan_out), dtype=jnp.float32) * (1.0 / np.sqrt(fan_in))
    W_self_0 = lin(ks[4], D_IN, D_H)
    W_neigh_0 = lin(ks[5], D_IN, D_H)
    b_0 = jnp.zeros((D_H,), dtype=jnp.float32)
    W_self_1 = lin(ks[6], D_H, D_H)
    W_neigh_1 = lin(ks[7], D_H, D_H)
    b_1 = jnp.zeros((D_H,), dtype=jnp.float32)
    W_self_2 = lin(ks[8], D_H, N_CLS)
    W_neigh_2 = lin(ks[9], D_H, N_CLS)
    b_2 = jnp.zeros((N_CLS,), dtype=jnp.float32)
    return {
        "x": x,
        "W_self_0": W_self_0, "W_neigh_0": W_neigh_0, "b_0": b_0,
        "W_self_1": W_self_1, "W_neigh_1": W_neigh_1, "b_1": b_1,
        "W_self_2": W_self_2, "W_neigh_2": W_neigh_2, "b_2": b_2,
        "edge_index_0": edge_index_0,
        "edge_index_1": edge_index_1,
        "edge_index_2": edge_index_2,
    }


def _sage_layer(h, edge_index, W_self, W_neigh, b):
    # DGL SAGEConv with aggregator_type='mean':
    #   h_dst' = fc_self(h_dst) + fc_neigh(mean_{u in N(v)} h_src[u]) + bias
    src = edge_index[0]
    dst = edge_index[1]
    msg = jnp.take(h, src, axis=0)                      # gather (SparseCore)
    agg = jax.ops.segment_sum(msg, dst, num_segments=N)  # scatter-add
    deg = jax.ops.segment_sum(jnp.ones((msg.shape[0],), dtype=jnp.float32), dst, num_segments=N)
    agg = agg / jnp.clip(deg, 1.0, None)[:, None]
    return h @ W_self + agg @ W_neigh + b


def reference(x, W_self_0, W_neigh_0, b_0, W_self_1, W_neigh_1, b_1,
              W_self_2, W_neigh_2, b_2, edge_index_0, edge_index_1, edge_index_2):
    h = x.astype(jnp.float32)
    # layer 0 + relu (dropout is identity in eval mode)
    h = _sage_layer(h, edge_index_0, W_self_0, W_neigh_0, b_0)
    h = jax.nn.relu(h)
    # layer 1 + relu
    h = _sage_layer(h, edge_index_1, W_self_1, W_neigh_1, b_1)
    h = jax.nn.relu(h)
    # layer 2 (no activation)
    h = _sage_layer(h, edge_index_2, W_self_2, W_neigh_2, b_2)
    return h

if __name__ == "__main__":
    import jax
    _d = setup_inputs()
    print(jax.jit(kernel)(*tuple(_d.values())))

</pallas_src>

<mosaic_0001>
#map = affine_map<(d0, d1) -> (0, 0, 0)>
#map1 = affine_map<(d0, d1) -> (0, 0)>
#map2 = affine_map<(d0, d1) -> (0)>
module attributes {stable_mosaic.version = 14 : i64} {
  func.func @k(%arg0: i32, %arg1: i32, %arg2: memref<32x79x128xi32, #tpu.memory_space<hbm>>, %arg3: memref<32x79x128xi32, #tpu.memory_space<hbm>>, %arg4: memref<10000x128xf32, #tpu.memory_space<hbm>>, %arg5: memref<640x128xf32, #tpu.memory_space<hbm>>, %arg6: memref<2x10240x128xf32, #tpu.memory_space<hbm>>, %arg7: memref<327680xf32, #tpu.memory_space<hbm>>, %arg8: memref<79x128xi32, #tpu.memory_space<vmem>>, %arg9: memref<79x128xi32, #tpu.memory_space<vmem>>, %arg10: memref<128x128xf32, #tpu.memory_space<vmem>>, %arg11: memref<10240xf32, #tpu.memory_space<vmem>>, %arg12: memref<10240x128xf32, #tpu.memory_space<vmem_shared>>, %arg13: memref<!tpu.dma_semaphore, #tpu.memory_space<semaphore_mem>>, %arg14: memref<!tpu.dma_semaphore, #tpu.memory_space<semaphore_mem>>) attributes {dimension_semantics = [#tpu.dimension_semantics<core_parallel>, #tpu.dimension_semantics<subcore_parallel>], iteration_bounds = array<i64: 2, 16>, scalar_prefetch = 0 : i64, scratch_operands = 7 : i64, tpu.core_type = #tpu.core_type<sc_vector_subcore>, window_params = [{transform_indices = #map}, {transform_indices = #map}, {transform_indices = #map1}, {transform_indices = #map1}, {transform_indices = #map}, {transform_indices = #map2}]} {
    %mul3A = arith.constant 2 : i32
    %mul3A_0 = arith.muli %arg1, %mul3A : i32
    %add3A = arith.addi %mul3A_0, %arg0 : i32
    %mul3A_1 = arith.constant 640 : i32
    %mul3A_2 = arith.muli %arg1, %mul3A_1 : i32
    %dma_start3A = arith.constant 0 : i32
    %dma_start3A_3 = arith.constant 0 : i32
    %dma_start3A_4 = tpu.memref_slice %arg2[%add3A, %dma_start3A, %dma_start3A_3] : memref<32x79x128xi32, #tpu.memory_space<hbm>> -> memref<1x79x128xi32, #tpu.memory_space<hbm>>
    %dma_start3A_5 = tpu.memref_squeeze %dma_start3A_4 : memref<1x79x128xi32, #tpu.memory_space<hbm>> -> memref<79x128xi32, #tpu.memory_space<hbm>>
    %dma_start3A_6 = arith.constant 0 : i32
    %dma_start3A_7 = arith.constant 0 : i32
    %dma_start3A_8 = tpu.memref_slice %arg2[%add3A, %dma_start3A_6, %dma_start3A_7] : memref<32x79x128xi32, #tpu.memory_space<hbm>> -> memref<1x79x128xi32, #tpu.memory_space<hbm>>
    %dma_start3A_9 = tpu.memref_squeeze %dma_start3A_8 : memref<1x79x128xi32, #tpu.memory_space<hbm>> -> memref<79x128xi32, #tpu.memory_space<hbm>>
    tpu.enqueue_dma source(%dma_start3A_9 : memref<79x128xi32, #tpu.memory_space<hbm>>) target(%arg8 : memref<79x128xi32, #tpu.memory_space<vmem>>) target_semaphore(%arg14 : memref<!tpu.dma_semaphore, #tpu.memory_space<semaphore_mem>>)
    %dma_start3A_10 = arith.constant 0 : i32
    %dma_start3A_11 = arith.constant 0 : i32
    %dma_start3A_12 = tpu.memref_slice %arg3[%add3A, %dma_start3A_10, %dma_start3A_11] : memref<32x79x128xi32, #tpu.memory_space<hbm>> -> memref<1x79x128xi32, #tpu.memory_space<hbm>>
    %dma_start3A_13 = tpu.memref_squeeze %dma_start3A_12 : memref<1x79x128xi32, #tpu.memory_space<hbm>> -> memref<79x128xi32, #tpu.memory_space<hbm>>
    %dma_start3A_14 = arith.constant 0 : i32
    %dma_start3A_15 = arith.constant 0 : i32
    %dma_start3A_16 = tpu.memref_slice %arg3[%add3A, %dma_start3A_14, %dma_start3A_15] : memref<32x79x128xi32, #tpu.memory_space<hbm>> -> memref<1x79x128xi32, #tpu.memory_space<hbm>>
    %dma_start3A_17 = tpu.memref_squeeze %dma_start3A_16 : memref<1x79x128xi32, #tpu.memory_space<hbm>> -> memref<79x128xi32, #tpu.memory_space<hbm>>
    tpu.enqueue_dma source(%dma_start3A_17 : memref<79x128xi32, #tpu.memory_space<hbm>>) target(%arg9 : memref<79x128xi32, #tpu.memory_space<vmem>>) target_semaphore(%arg14 : memref<!tpu.dma_semaphore, #tpu.memory_space<semaphore_mem>>)
    "tpu.region"() ({
      %run_scoped3A = tpu.sem_alloc : memref<!tpu.dma_semaphore, #tpu.memory_space<semaphore_mem>>
      %dma_start3A_50 = arith.constant 0 : i32
      %dma_start3A_51 = tpu.memref_slice %arg12[%mul3A_2, %dma_start3A_50] : memref<10240x128xf32, #tpu.memory_space<vmem_shared>> -> memref<640x128xf32, #tpu.memory_space<vmem_shared>>
      tpu.enqueue_dma source(%arg5 : memref<640x128xf32, #tpu.memory_space<hbm>>) target(%dma_start3A_51 : memref<640x128xf32, #tpu.memory_space<vmem_shared>>) target_semaphore(%run_scoped3A : memref<!tpu.dma_semaphore, #tpu.memory_space<semaphore_mem>>)
      %dma_wait3A_52 = arith.constant 0 : i32
      %dma_wait3A_53 = tpu.memref_slice %arg12[%mul3A_2, %dma_wait3A_52] : memref<10240x128xf32, #tpu.memory_space<vmem_shared>> -> memref<640x128xf32, #tpu.memory_space<vmem_shared>>
      tpu.wait_dma2 semaphore(%run_scoped3A : memref<!tpu.dma_semaphore, #tpu.memory_space<semaphore_mem>>) src(%arg5 : memref<640x128xf32, #tpu.memory_space<hbm>>) dst(%dma_wait3A_53 : memref<640x128xf32, #tpu.memory_space<vmem_shared>>)
      tpu.yield
    }) : () -> ()
    %scan3A = arith.constant 0 : i32
    %scan3A_18 = arith.constant 0 : i32
    %scan3A_19 = arith.constant 640 : i32
    %scan3A_20 = arith.addi %scan3A_18, %scan3A_19 : i32
    %scan3A_21 = arith.constant 1 : i32
    scf.for %scan3A_50 = %scan3A_18 to %scan3A_20 step %scan3A_21  : i32 {
      %broadcast_in_dim3A_51 = arith.constant 0.000000e+00 : f32
      %broadcast_in_dim3A_52 = vector.broadcast %broadcast_in_dim3A_51 : f32 to vector<16xf32>
      %mul3A_53 = arith.constant 16 : i32
      %mul3A_54 = arith.muli %scan3A_50, %mul3A_53 : i32
      %swap3A = arith.index_cast %mul3A_54 : i32 to index
      %swap3A_55 = tpu.vector_load %arg11[%swap3A] {strides = array<i32>} : memref<10240xf32, #tpu.memory_space<vmem>>, vector<16xf32>,
      tpu.vector_store %arg11[%swap3A], %broadcast_in_dim3A_52 {strides = array<i32>} : memref<10240xf32, #tpu.memory_space<vmem>>, vector<16xf32>,
    }
    %scan3A_22 = arith.constant 640 : i32
    %dma_wait3A = arith.constant 0 : i32
    %dma_wait3A_23 = arith.constant 0 : i32
    %dma_wait3A_24 = arith.constant 0 : i32
    %dma_wait3A_25 = tpu.memref_slice %arg2[%dma_wait3A, %dma_wait3A_23, %dma_wait3A_24] : memref<32x79x128xi32, #tpu.memory_space<hbm>> -> memref<1x79x128xi32, #tpu.memory_space<hbm>>
    %dma_wait3A_26 = tpu.memref_squeeze %dma_wait3A_25 : memref<1x79x128xi32, #tpu.memory_space<hbm>> -> memref<79x128xi32, #tpu.memory_space<hbm>>
    %dma_wait3A_27 = arith.constant 0 : i32
    %dma_wait3A_28 = arith.constant 0 : i32
    %dma_wait3A_29 = tpu.memref_slice %arg2[%dma_wait3A, %dma_wait3A_27, %dma_wait3A_28] : memref<32x79x128xi32, #tpu.memory_space<hbm>> -> memref<1x79x128xi32, #tpu.memory_space<hbm>>
    %dma_wait3A_30 = tpu.memref_squeeze %dma_wait3A_29 : memref<1x79x128xi32, #tpu.memory_space<hbm>> -> memref<79x128xi32, #tpu.memory_space<hbm>>
    tpu.wait_dma2 semaphore(%arg14 : memref<!tpu.dma_semaphore, #tpu.memory_space<semaphore_mem>>) src(%dma_wait3A_30 : memref<79x128xi32, #tpu.memory_space<hbm>>) dst(%arg8 : memref<79x128xi32, #tpu.memory_space<vmem>>)
    %dma_wait3A_31 = arith.constant 0 : i32
    %dma_wait3A_32 = arith.constant 0 : i32
    %dma_wait3A_33 = arith.constant 0 : i32
    %dma_wait3A_34 = tpu.memref_slice %arg3[%dma_wait3A_31, %dma_wait3A_32, %dma_wait3A_33] : memref<32x79x128xi32, #tpu.memory_space<hbm>> -> memref<1x79x128xi32, #tpu.memory_space<hbm>>
    %dma_wait3A_35 = tpu.memref_squeeze %dma_wait3A_34 : memref<1x79x128xi32, #tpu.memory_space<hbm>> -> memref<79x128xi32, #tpu.memory_space<hbm>>
    %dma_wait3A_36 = arith.constant 0 : i32
    %dma_wait3A_37 = arith.constant 0 : i32
    %dma_wait3A_38 = tpu.memref_slice %arg3[%dma_wait3A_31, %dma_wait3A_36, %dma_wait3A_37] : memref<32x79x128xi32, #tpu.memory_space<hbm>> -> memref<1x79x128xi32, #tpu.memory_space<hbm>>
    %dma_wait3A_39 = tpu.memref_squeeze %dma_wait3A_38 : memref<1x79x128xi32, #tpu.memory_space<hbm>> -> memref<79x128xi32, #tpu.memory_space<hbm>>
    tpu.wait_dma2 semaphore(%arg14 : memref<!tpu.dma_semaphore, #tpu.memory_space<semaphore_mem>>) src(%dma_wait3A_39 : memref<79x128xi32, #tpu.memory_space<hbm>>) dst(%arg9 : memref<79x128xi32, #tpu.memory_space<vmem>>)
    %barrier3A = arith.constant 0 : index
    tpu.barrier barrier_id(%barrier3A)
    %broadcast_in_dim3A = arith.constant 1.000000e+00 : f32
    %broadcast_in_dim3A_40 = vector.broadcast %broadcast_in_dim3A : f32 to vector<16xf32>
    %scan3A_41 = arith.constant 0 : i32
    %scan3A_42 = arith.constant 0 : i32
    %scan3A_43 = arith.constant 79 : i32
    %scan3A_44 = arith.addi %scan3A_42, %scan3A_43 : i32
    %scan3A_45 = arith.constant 1 : i32
    scf.for %scan3A_50 = %scan3A_42 to %scan3A_44 step %scan3A_45  : i32 {
      %dma_start3A_51 = arith.constant 0 : i32
      %dma_start3A_52 = tpu.memref_slice %arg8[%scan3A_50, %dma_start3A_51] : memref<79x128xi32, #tpu.memory_space<vmem>> -> memref<1x128xi32, #tpu.memory_space<vmem>>
      %dma_start3A_53 = tpu.memref_squeeze %dma_start3A_52 : memref<1x128xi32, #tpu.memory_space<vmem>> -> memref<128xi32, #tpu.memory_space<vmem>>
      %dma_start3A_54 = arith.constant 0 : i32
      %dma_start3A_55 = arith.constant 0 : i32
      %dma_start3A_56 = tpu.memref_slice %arg4[%dma_start3A_54, %dma_start3A_55] : memref<10000x128xf32, #tpu.memory_space<hbm>> -> memref<10000x128xf32, #tpu.memory_space<hbm>>
      tpu.enqueue_indirect_dma source(%dma_start3A_56 : memref<10000x128xf32, #tpu.memory_space<hbm>>) target(%arg10 : memref<128x128xf32, #tpu.memory_space<vmem>>) offsets(%dma_start3A_53 : memref<128xi32, #tpu.memory_space<vmem>>) semaphore(%arg13 : memref<!tpu.dma_semaphore, #tpu.memory_space<semaphore_mem>>)
      %get3A = arith.index_cast %scan3A_50 : i32 to index
      %get3A_57 = arith.constant 0 : index
      %get3A_58 = tpu.vector_load %arg9[%get3A, %get3A_57] {strides = array<i32>} : memref<79x128xi32, #tpu.memory_space<vmem>>, vector<16xi32>,
      tpu.vector_store_idx %arg11[%get3A_58], %broadcast_in_dim3A_40 {add = true} : memref<10240xf32, #tpu.memory_space<vmem>>[vector<16xi32>], vector<16xf32>,
      %get3A_59 = arith.index_cast %scan3A_50 : i32 to index
      %get3A_60 = arith.constant 16 : index
      %get3A_61 = tpu.vector_load %arg9[%get3A_59, %get3A_60] {strides = array<i32>} : memref<79x128xi32, #tpu.memory_space<vmem>>, vector<16xi32>,
      tpu.vector_store_idx %arg11[%get3A_61], %broadcast_in_dim3A_40 {add = true} : memref<10240xf32, #tpu.memory_space<vmem>>[vector<16xi32>], vector<16xf32>,
      %get3A_62 = arith.index_cast %scan3A_50 : i32 to index
      %get3A_63 = arith.constant 32 : index
      %get3A_64 = tpu.vector_load %arg9[%get3A_62, %get3A_63] {strides = array<i32>} : memref<79x128xi32, #tpu.memory_space<vmem>>, vector<16xi32>,
      tpu.vector_store_idx %arg11[%get3A_64], %broadcast_in_dim3A_40 {add = true} : memref<10240xf32, #tpu.memory_space<vmem>>[vector<16xi32>], vector<16xf32>,
      %get3A_65 = arith.index_cast %scan3A_50 : i32 to index
      %get3A_66 = arith.constant 48 : index
      %get3A_67 = tpu.vector_load %arg9[%get3A_65, %get3A_66] {strides = array<i32>} : memref<79x128xi32, #tpu.memory_space<vmem>>, vector<16xi32>,
      tpu.vector_store_idx %arg11[%get3A_67], %broadcast_in_dim3A_40 {add = true} : memref<10240xf32, #tpu.memory_space<vmem>>[vector<16xi32>], vector<16xf32>,
      %get3A_68 = arith.index_cast %scan3A_50 : i32 to index
      %get3A_69 = arith.constant 64 : index
      %get3A_70 = tpu.vector_load %arg9[%get3A_68, %get3A_69] {strides = array<i32>} : memref<79x128xi32, #tpu.memory_space<vmem>>, vector<16xi32>,
      tpu.vector_store_idx %arg11[%get3A_70], %broadcast_in_dim3A_40 {add = true} : memref<10240xf32, #tpu.memory_space<vmem>>[vector<16xi32>], vector<16xf32>,
      %get3A_71 = arith.index_cast %scan3A_50 : i32 to index
      %get3A_72 = arith.constant 80 : index
      %get3A_73 = tpu.vector_load %arg9[%get3A_71, %get3A_72] {strides = array<i32>} : memref<79x128xi32, #tpu.memory_space<vmem>>, vector<16xi32>,
      tpu.vector_store_idx %arg11[%get3A_73], %broadcast_in_dim3A_40 {add = true} : memref<10240xf32, #tpu.memory_space<vmem>>[vector<16xi32>], vector<16xf32>,
      %get3A_74 = arith.index_cast %scan3A_50 : i32 to index
      %get3A_75 = arith.constant 96 : index
      %get3A_76 = tpu.vector_load %arg9[%get3A_74, %get3A_75] {strides = array<i32>} : memref<79x128xi32, #tpu.memory_space<vmem>>, vector<16xi32>,
      tpu.vector_store_idx %arg11[%get3A_76], %broadcast_in_dim3A_40 {add = true} : memref<10240xf32, #tpu.memory_space<vmem>>[vector<16xi32>], vector<16xf32>,
      %get3A_77 = arith.index_cast %scan3A_50 : i32 to index
      %get3A_78 = arith.constant 112 : index
      %get3A_79 = tpu.vector_load %arg9[%get3A_77, %get3A_78] {strides = array<i32>} : memref<79x128xi32, #tpu.memory_space<vmem>>, vector<16xi32>,
      tpu.vector_store_idx %arg11[%get3A_79], %broadcast_in_dim3A_40 {add = true} : memref<10240xf32, #tpu.memory_space<vmem>>[vector<16xi32>], vector<16xf32>,
      %dma_wait3A_80 = arith.constant 0 : i32
      %dma_wait3A_81 = tpu.memref_slice %arg8[%scan3A_50, %dma_wait3A_80] : memref<79x128xi32, #tpu.memory_space<vmem>> -> memref<1x128xi32, #tpu.memory_space<vmem>>
      %dma_wait3A_82 = tpu.memref_squeeze %dma_wait3A_81 : memref<1x128xi32, #tpu.memory_space<vmem>> -> memref<128xi32, #tpu.memory_space<vmem>>
      %dma_wait3A_83 = arith.constant 0 : i32
      %dma_wait3A_84 = arith.constant 0 : i32
      %dma_wait3A_85 = tpu.memref_slice %arg4[%dma_wait3A_83, %dma_wait3A_84] : memref<10000x128xf32, #tpu.memory_space<hbm>> -> memref<10000x128xf32, #tpu.memory_space<hbm>>
      tpu.wait_indirect_dma semaphore(%arg13 : memref<!tpu.dma_semaphore, #tpu.memory_space<semaphore_mem>>) src(%dma_wait3A_85 : memref<10000x128xf32, #tpu.memory_space<hbm>>) dst(%arg10 : memref<128x128xf32, #tpu.memory_space<vmem>>)
      "tpu.region"() ({
        %run_scoped3A = tpu.sem_alloc : memref<!tpu.dma_semaphore, #tpu.memory_space<semaphore_mem>>
        %dma_start3A_86 = arith.constant 0 : i32
        %dma_start3A_87 = tpu.memref_slice %arg9[%scan3A_50, %dma_start3A_86] : memref<79x128xi32, #tpu.memory_space<vmem>> -> memref<1x128xi32, #tpu.memory_space<vmem>>
        %dma_start3A_88 = tpu.memref_squeeze %dma_start3A_87 : memref<1x128xi32, #tpu.memory_space<vmem>> -> memref<128xi32, #tpu.memory_space<vmem>>
        %dma_start3A_89 = arith.constant 0 : i32
        %dma_start3A_90 = arith.constant 0 : i32
        %dma_start3A_91 = tpu.memref_slice %arg12[%dma_start3A_89, %dma_start3A_90] : memref<10240x128xf32, #tpu.memory_space<vmem_shared>> -> memref<10240x128xf32, #tpu.memory_space<vmem_shared>>
        tpu.enqueue_indirect_dma source(%arg10 : memref<128x128xf32, #tpu.memory_space<vmem>>) target(%dma_start3A_91 : memref<10240x128xf32, #tpu.memory_space<vmem_shared>>) offsets(%dma_start3A_88 : memref<128xi32, #tpu.memory_space<vmem>>) semaphore(%run_scoped3A : memref<!tpu.dma_semaphore, #tpu.memory_space<semaphore_mem>>) {add = true}
        %dma_wait3A_92 = arith.constant 0 : i32
        %dma_wait3A_93 = tpu.memref_slice %arg9[%scan3A_50, %dma_wait3A_92] : memref<79x128xi32, #tpu.memory_space<vmem>> -> memref<1x128xi32, #tpu.memory_space<vmem>>
        %dma_wait3A_94 = tpu.memref_squeeze %dma_wait3A_93 : memref<1x128xi32, #tpu.memory_space<vmem>> -> memref<128xi32, #tpu.memory_space<vmem>>
        %dma_wait3A_95 = arith.constant 0 : i32
        %dma_wait3A_96 = arith.constant 0 : i32
        %dma_wait3A_97 = tpu.memref_slice %arg12[%dma_wait3A_95, %dma_wait3A_96] : memref<10240x128xf32, #tpu.memory_space<vmem_shared>> -> memref<10240x128xf32, #tpu.memory_space<vmem_shared>>
        tpu.wait_indirect_dma semaphore(%run_scoped3A : memref<!tpu.dma_semaphore, #tpu.memory_space<semaphore_mem>>) src(%arg10 : memref<128x128xf32, #tpu.memory_space<vmem>>) dst(%dma_wait3A_97 : memref<10240x128xf32, #tpu.memory_space<vmem_shared>>)
        tpu.yield
      }) : () -> ()
    }
    %scan3A_46 = arith.constant 79 : i32
    %barrier3A_47 = arith.constant 0 : index
    tpu.barrier barrier_id(%barrier3A_47)
    "tpu.region"() ({
      %run_scoped3A = tpu.sem_alloc : memref<!tpu.dma_semaphore, #tpu.memory_space<semaphore_mem>>
      %dma_start3A_50 = arith.constant 0 : i32
      %dma_start3A_51 = tpu.memref_slice %arg6[%arg0, %mul3A_2, %dma_start3A_50] : memref<2x10240x128xf32, #tpu.memory_space<hbm>> -> memref<1x640x128xf32, #tpu.memory_space<hbm>>
      %dma_start3A_52 = tpu.memref_squeeze %dma_start3A_51 : memref<1x640x128xf32, #tpu.memory_space<hbm>> -> memref<640x128xf32, #tpu.memory_space<hbm>>
      %dma_start3A_53 = arith.constant 0 : i32
      %dma_start3A_54 = tpu.memref_slice %arg12[%mul3A_2, %dma_start3A_53] : memref<10240x128xf32, #tpu.memory_space<vmem_shared>> -> memref<640x128xf32, #tpu.memory_space<vmem_shared>>
      tpu.enqueue_dma source(%dma_start3A_54 : memref<640x128xf32, #tpu.memory_space<vmem_shared>>) target(%dma_start3A_52 : memref<640x128xf32, #tpu.memory_space<hbm>>) target_semaphore(%run_scoped3A : memref<!tpu.dma_semaphore, #tpu.memory_space<semaphore_mem>>)
      %dma_wait3A_55 = arith.constant 0 : i32
      %dma_wait3A_56 = tpu.memref_slice %arg6[%arg0, %mul3A_2, %dma_wait3A_55] : memref<2x10240x128xf32, #tpu.memory_space<hbm>> -> memref<1x640x128xf32, #tpu.memory_space<hbm>>
      %dma_wait3A_57 = tpu.memref_squeeze %dma_wait3A_56 : memref<1x640x128xf32, #tpu.memory_space<hbm>> -> memref<640x128xf32, #tpu.memory_space<hbm>>
      %dma_wait3A_58 = arith.constant 0 : i32
      %dma_wait3A_59 = tpu.memref_slice %arg12[%mul3A_2, %dma_wait3A_58] : memref<10240x128xf32, #tpu.memory_space<vmem_shared>> -> memref<640x128xf32, #tpu.memory_space<vmem_shared>>
      tpu.wait_dma2 semaphore(%run_scoped3A : memref<!tpu.dma_semaphore, #tpu.memory_space<semaphore_mem>>) src(%dma_wait3A_59 : memref<640x128xf32, #tpu.memory_space<vmem_shared>>) dst(%dma_wait3A_57 : memref<640x128xf32, #tpu.memory_space<hbm>>)
      tpu.yield
    }) : () -> ()
    %mul3A_48 = arith.constant 10240 : i32
    %mul3A_49 = arith.muli %add3A, %mul3A_48 : i32
    "tpu.region"() ({
      %run_scoped3A = tpu.sem_alloc : memref<!tpu.dma_semaphore, #tpu.memory_space<semaphore_mem>>
      %dma_start3A_50 = tpu.memref_slice %arg7[%mul3A_49] : memref<327680xf32, #tpu.memory_space<hbm>> -> memref<10240xf32, #tpu.memory_space<hbm>>
      %dma_start3A_51 = tpu.memref_slice %arg7[%mul3A_49] : memref<327680xf32, #tpu.memory_space<hbm>> -> memref<10240xf32, #tpu.memory_space<hbm>>
      tpu.enqueue_dma source(%arg11 : memref<10240xf32, #tpu.memory_space<vmem>>) target(%dma_start3A_51 : memref<10240xf32, #tpu.memory_space<hbm>>) target_semaphore(%run_scoped3A : memref<!tpu.dma_semaphore, #tpu.memory_space<semaphore_mem>>)
      %dma_wait3A_52 = tpu.memref_slice %arg7[%mul3A_49] : memref<327680xf32, #tpu.memory_space<hbm>> -> memref<10240xf32, #tpu.memory_space<hbm>>
      %dma_wait3A_53 = tpu.memref_slice %arg7[%mul3A_49] : memref<327680xf32, #tpu.memory_space<hbm>> -> memref<10240xf32, #tpu.memory_space<hbm>>
      tpu.wait_dma2 semaphore(%run_scoped3A : memref<!tpu.dma_semaphore, #tpu.memory_space<semaphore_mem>>) src(%arg11 : memref<10240xf32, #tpu.memory_space<vmem>>) dst(%dma_wait3A_53 : memref<10240xf32, #tpu.memory_space<hbm>>)
      tpu.yield
    }) : () -> ()
    return
  }
}

#map = affine_map<(d0, d1) -> (0, 0, 0)>
#map1 = affine_map<(d0, d1) -> (0, 0)>
#map2 = affine_map<(d0, d1) -> (0)>
module attributes {stable_mosaic.version = 14 : i64} {
  func.func @k(%arg0: i32, %arg1: i32, %arg2: memref<32x79x128xi32, #tpu.memory_space<hbm>>, %arg3: memref<32x79x128xi32, #tpu.memory_space<hbm>>, %arg4: memref<10000x128xf32, #tpu.memory_space<hbm>>, %arg5: memref<640x128xf32, #tpu.memory_space<hbm>>, %arg6: memref<2x10240x128xf32, #tpu.memory_space<hbm>>, %arg7: memref<327680xf32, #tpu.memory_space<hbm>>, %arg8: memref<79x128xi32, #tpu.memory_space<vmem>>, %arg9: memref<79x128xi32, #tpu.memory_space<vmem>>, %arg10: memref<128x128xf32, #tpu.memory_space<vmem>>, %arg11: memref<10240xf32, #tpu.memory_space<vmem>>, %arg12: memref<10240x128xf32, #tpu.memory_space<vmem_shared>>, %arg13: memref<!tpu.dma_semaphore, #tpu.memory_space<semaphore_mem>>, %arg14: memref<!tpu.dma_semaphore, #tpu.memory_space<semaphore_mem>>) attributes {dimension_semantics = [#tpu.dimension_semantics<core_parallel>, #tpu.dimension_semantics<subcore_parallel>], iteration_bounds = array<i64: 2, 16>, scalar_prefetch = 0 : i64, scratch_operands = 7 : i64, tpu.core_type = #tpu.core_type<sc_vector_subcore>, window_params = [{transform_indices = #map}, {transform_indices = #map}, {transform_indices = #map1}, {transform_indices = #map1}, {transform_indices = #map}, {transform_indices = #map2}]} {
    %mul3A = arith.constant 2 : i32
    %mul3A_0 = arith.muli %arg1, %mul3A : i32
    %add3A = arith.addi %mul3A_0, %arg0 : i32
    %mul3A_1 = arith.constant 640 : i32
    %mul3A_2 = arith.muli %arg1, %mul3A_1 : i32
    %dma_start3A = arith.constant 0 : i32
    %dma_start3A_3 = arith.constant 0 : i32
    %dma_start3A_4 = tpu.memref_slice %arg2[%add3A, %dma_start3A, %dma_start3A_3] : memref<32x79x128xi32, #tpu.memory_space<hbm>> -> memref<1x79x128xi32, #tpu.memory_space<hbm>>
    %dma_start3A_5 = tpu.memref_squeeze %dma_start3A_4 : memref<1x79x128xi32, #tpu.memory_space<hbm>> -> memref<79x128xi32, #tpu.memory_space<hbm>>
    %dma_start3A_6 = arith.constant 0 : i32
    %dma_start3A_7 = arith.constant 0 : i32
    %dma_start3A_8 = tpu.memref_slice %arg2[%add3A, %dma_start3A_6, %dma_start3A_7] : memref<32x79x128xi32, #tpu.memory_space<hbm>> -> memref<1x79x128xi32, #tpu.memory_space<hbm>>
    %dma_start3A_9 = tpu.memref_squeeze %dma_start3A_8 : memref<1x79x128xi32, #tpu.memory_space<hbm>> -> memref<79x128xi32, #tpu.memory_space<hbm>>
    tpu.enqueue_dma source(%dma_start3A_9 : memref<79x128xi32, #tpu.memory_space<hbm>>) target(%arg8 : memref<79x128xi32, #tpu.memory_space<vmem>>) target_semaphore(%arg14 : memref<!tpu.dma_semaphore, #tpu.memory_space<semaphore_mem>>)
    %dma_start3A_10 = arith.constant 0 : i32
    %dma_start3A_11 = arith.constant 0 : i32
    %dma_start3A_12 = tpu.memref_slice %arg3[%add3A, %dma_start3A_10, %dma_start3A_11] : memref<32x79x128xi32, #tpu.memory_space<hbm>> -> memref<1x79x128xi32, #tpu.memory_space<hbm>>
    %dma_start3A_13 = tpu.memref_squeeze %dma_start3A_12 : memref<1x79x128xi32, #tpu.memory_space<hbm>> -> memref<79x128xi32, #tpu.memory_space<hbm>>
    %dma_start3A_14 = arith.constant 0 : i32
    %dma_start3A_15 = arith.constant 0 : i32
    %dma_start3A_16 = tpu.memref_slice %arg3[%add3A, %dma_start3A_14, %dma_start3A_15] : memref<32x79x128xi32, #tpu.memory_space<hbm>> -> memref<1x79x128xi32, #tpu.memory_space<hbm>>
    %dma_start3A_17 = tpu.memref_squeeze %dma_start3A_16 : memref<1x79x128xi32, #tpu.memory_space<hbm>> -> memref<79x128xi32, #tpu.memory_space<hbm>>
    tpu.enqueue_dma source(%dma_start3A_17 : memref<79x128xi32, #tpu.memory_space<hbm>>) target(%arg9 : memref<79x128xi32, #tpu.memory_space<vmem>>) target_semaphore(%arg14 : memref<!tpu.dma_semaphore, #tpu.memory_space<semaphore_mem>>)
    "tpu.region"() ({
      %run_scoped3A = tpu.sem_alloc : memref<!tpu.dma_semaphore, #tpu.memory_space<semaphore_mem>>
      %dma_start3A_50 = arith.constant 0 : i32
      %dma_start3A_51 = tpu.memref_slice %arg12[%mul3A_2, %dma_start3A_50] : memref<10240x128xf32, #tpu.memory_space<vmem_shared>> -> memref<640x128xf32, #tpu.memory_space<vmem_shared>>
      tpu.enqueue_dma source(%arg5 : memref<640x128xf32, #tpu.memory_space<hbm>>) target(%dma_start3A_51 : memref<640x128xf32, #tpu.memory_space<vmem_shared>>) target_semaphore(%run_scoped3A : memref<!tpu.dma_semaphore, #tpu.memory_space<semaphore_mem>>)
      %dma_wait3A_52 = arith.constant 0 : i32
      %dma_wait3A_53 = tpu.memref_slice %arg12[%mul3A_2, %dma_wait3A_52] : memref<10240x128xf32, #tpu.memory_space<vmem_shared>> -> memref<640x128xf32, #tpu.memory_space<vmem_shared>>
      tpu.wait_dma2 semaphore(%run_scoped3A : memref<!tpu.dma_semaphore, #tpu.memory_space<semaphore_mem>>) src(%arg5 : memref<640x128xf32, #tpu.memory_space<hbm>>) dst(%dma_wait3A_53 : memref<640x128xf32, #tpu.memory_space<vmem_shared>>)
      tpu.yield
    }) : () -> ()
    %scan3A = arith.constant 0 : i32
    %scan3A_18 = arith.constant 0 : i32
    %scan3A_19 = arith.constant 640 : i32
    %scan3A_20 = arith.addi %scan3A_18, %scan3A_19 : i32
    %scan3A_21 = arith.constant 1 : i32
    scf.for %scan3A_50 = %scan3A_18 to %scan3A_20 step %scan3A_21  : i32 {
      %broadcast_in_dim3A_51 = arith.constant 0.000000e+00 : f32
      %broadcast_in_dim3A_52 = vector.broadcast %broadcast_in_dim3A_51 : f32 to vector<16xf32>
      %mul3A_53 = arith.constant 16 : i32
      %mul3A_54 = arith.muli %scan3A_50, %mul3A_53 : i32
      %swap3A = arith.index_cast %mul3A_54 : i32 to index
      %swap3A_55 = tpu.vector_load %arg11[%swap3A] {strides = array<i32>} : memref<10240xf32, #tpu.memory_space<vmem>>, vector<16xf32>,
      tpu.vector_store %arg11[%swap3A], %broadcast_in_dim3A_52 {strides = array<i32>} : memref<10240xf32, #tpu.memory_space<vmem>>, vector<16xf32>,
    }
    %scan3A_22 = arith.constant 640 : i32
    %dma_wait3A = arith.constant 0 : i32
    %dma_wait3A_23 = arith.constant 0 : i32
    %dma_wait3A_24 = arith.constant 0 : i32
    %dma_wait3A_25 = tpu.memref_slice %arg2[%dma_wait3A, %dma_wait3A_23, %dma_wait3A_24] : memref<32x79x128xi32, #tpu.memory_space<hbm>> -> memref<1x79x128xi32, #tpu.memory_space<hbm>>
    %dma_wait3A_26 = tpu.memref_squeeze %dma_wait3A_25 : memref<1x79x128xi32, #tpu.memory_space<hbm>> -> memref<79x128xi32, #tpu.memory_space<hbm>>
    %dma_wait3A_27 = arith.constant 0 : i32
    %dma_wait3A_28 = arith.constant 0 : i32
    %dma_wait3A_29 = tpu.memref_slice %arg2[%dma_wait3A, %dma_wait3A_27, %dma_wait3A_28] : memref<32x79x128xi32, #tpu.memory_space<hbm>> -> memref<1x79x128xi32, #tpu.memory_space<hbm>>
    %dma_wait3A_30 = tpu.memref_squeeze %dma_wait3A_29 : memref<1x79x128xi32, #tpu.memory_space<hbm>> -> memref<79x128xi32, #tpu.memory_space<hbm>>
    tpu.wait_dma2 semaphore(%arg14 : memref<!tpu.dma_semaphore, #tpu.memory_space<semaphore_mem>>) src(%dma_wait3A_30 : memref<79x128xi32, #tpu.memory_space<hbm>>) dst(%arg8 : memref<79x128xi32, #tpu.memory_space<vmem>>)
    %dma_wait3A_31 = arith.constant 0 : i32
    %dma_wait3A_32 = arith.constant 0 : i32
    %dma_wait3A_33 = arith.constant 0 : i32
    %dma_wait3A_34 = tpu.memref_slice %arg3[%dma_wait3A_31, %dma_wait3A_32, %dma_wait3A_33] : memref<32x79x128xi32, #tpu.memory_space<hbm>> -> memref<1x79x128xi32, #tpu.memory_space<hbm>>
    %dma_wait3A_35 = tpu.memref_squeeze %dma_wait3A_34 : memref<1x79x128xi32, #tpu.memory_space<hbm>> -> memref<79x128xi32, #tpu.memory_space<hbm>>
    %dma_wait3A_36 = arith.constant 0 : i32
    %dma_wait3A_37 = arith.constant 0 : i32
    %dma_wait3A_38 = tpu.memref_slice %arg3[%dma_wait3A_31, %dma_wait3A_36, %dma_wait3A_37] : memref<32x79x128xi32, #tpu.memory_space<hbm>> -> memref<1x79x128xi32, #tpu.memory_space<hbm>>
    %dma_wait3A_39 = tpu.memref_squeeze %dma_wait3A_38 : memref<1x79x128xi32, #tpu.memory_space<hbm>> -> memref<79x128xi32, #tpu.memory_space<hbm>>
    tpu.wait_dma2 semaphore(%arg14 : memref<!tpu.dma_semaphore, #tpu.memory_space<semaphore_mem>>) src(%dma_wait3A_39 : memref<79x128xi32, #tpu.memory_space<hbm>>) dst(%arg9 : memref<79x128xi32, #tpu.memory_space<vmem>>)
    %barrier3A = arith.constant 0 : index
    tpu.barrier barrier_id(%barrier3A)
    %broadcast_in_dim3A = arith.constant 1.000000e+00 : f32
    %broadcast_in_dim3A_40 = vector.broadcast %broadcast_in_dim3A : f32 to vector<16xf32>
    %scan3A_41 = arith.constant 0 : i32
    %scan3A_42 = arith.constant 0 : i32
    %scan3A_43 = arith.constant 79 : i32
    %scan3A_44 = arith.addi %scan3A_42, %scan3A_43 : i32
    %scan3A_45 = arith.constant 1 : i32
    scf.for %scan3A_50 = %scan3A_42 to %scan3A_44 step %scan3A_45  : i32 {
      %dma_start3A_51 = arith.constant 0 : i32
      %dma_start3A_52 = tpu.memref_slice %arg8[%scan3A_50, %dma_start3A_51] : memref<79x128xi32, #tpu.memory_space<vmem>> -> memref<1x128xi32, #tpu.memory_space<vmem>>
      %dma_start3A_53 = tpu.memref_squeeze %dma_start3A_52 : memref<1x128xi32, #tpu.memory_space<vmem>> -> memref<128xi32, #tpu.memory_space<vmem>>
      %dma_start3A_54 = arith.constant 0 : i32
      %dma_start3A_55 = arith.constant 0 : i32
      %dma_start3A_56 = tpu.memref_slice %arg4[%dma_start3A_54, %dma_start3A_55] : memref<10000x128xf32, #tpu.memory_space<hbm>> -> memref<10000x128xf32, #tpu.memory_space<hbm>>
      tpu.enqueue_indirect_dma source(%dma_start3A_56 : memref<10000x128xf32, #tpu.memory_space<hbm>>) target(%arg10 : memref<128x128xf32, #tpu.memory_space<vmem>>) offsets(%dma_start3A_53 : memref<128xi32, #tpu.memory_space<vmem>>) semaphore(%arg13 : memref<!tpu.dma_semaphore, #tpu.memory_space<semaphore_mem>>)
      %get3A = arith.index_cast %scan3A_50 : i32 to index
      %get3A_57 = arith.constant 0 : index
      %get3A_58 = tpu.vector_load %arg9[%get3A, %get3A_57] {strides = array<i32>} : memref<79x128xi32, #tpu.memory_space<vmem>>, vector<16xi32>,
      tpu.vector_store_idx %arg11[%get3A_58], %broadcast_in_dim3A_40 {add = true} : memref<10240xf32, #tpu.memory_space<vmem>>[vector<16xi32>], vector<16xf32>,
      %get3A_59 = arith.index_cast %scan3A_50 : i32 to index
      %get3A_60 = arith.constant 16 : index
      %get3A_61 = tpu.vector_load %arg9[%get3A_59, %get3A_60] {strides = array<i32>} : memref<79x128xi32, #tpu.memory_space<vmem>>, vector<16xi32>,
      tpu.vector_store_idx %arg11[%get3A_61], %broadcast_in_dim3A_40 {add = true} : memref<10240xf32, #tpu.memory_space<vmem>>[vector<16xi32>], vector<16xf32>,
      %get3A_62 = arith.index_cast %scan3A_50 : i32 to index
      %get3A_63 = arith.constant 32 : index
      %get3A_64 = tpu.vector_load %arg9[%get3A_62, %get3A_63] {strides = array<i32>} : memref<79x128xi32, #tpu.memory_space<vmem>>, vector<16xi32>,
      tpu.vector_store_idx %arg11[%get3A_64], %broadcast_in_dim3A_40 {add = true} : memref<10240xf32, #tpu.memory_space<vmem>>[vector<16xi32>], vector<16xf32>,
      %get3A_65 = arith.index_cast %scan3A_50 : i32 to index
      %get3A_66 = arith.constant 48 : index
      %get3A_67 = tpu.vector_load %arg9[%get3A_65, %get3A_66] {strides = array<i32>} : memref<79x128xi32, #tpu.memory_space<vmem>>, vector<16xi32>,
      tpu.vector_store_idx %arg11[%get3A_67], %broadcast_in_dim3A_40 {add = true} : memref<10240xf32, #tpu.memory_space<vmem>>[vector<16xi32>], vector<16xf32>,
      %get3A_68 = arith.index_cast %scan3A_50 : i32 to index
      %get3A_69 = arith.constant 64 : index
      %get3A_70 = tpu.vector_load %arg9[%get3A_68, %get3A_69] {strides = array<i32>} : memref<79x128xi32, #tpu.memory_space<vmem>>, vector<16xi32>,
      tpu.vector_store_idx %arg11[%get3A_70], %broadcast_in_dim3A_40 {add = true} : memref<10240xf32, #tpu.memory_space<vmem>>[vector<16xi32>], vector<16xf32>,
      %get3A_71 = arith.index_cast %scan3A_50 : i32 to index
      %get3A_72 = arith.constant 80 : index
      %get3A_73 = tpu.vector_load %arg9[%get3A_71, %get3A_72] {strides = array<i32>} : memref<79x128xi32, #tpu.memory_space<vmem>>, vector<16xi32>,
      tpu.vector_store_idx %arg11[%get3A_73], %broadcast_in_dim3A_40 {add = true} : memref<10240xf32, #tpu.memory_space<vmem>>[vector<16xi32>], vector<16xf32>,
      %get3A_74 = arith.index_cast %scan3A_50 : i32 to index
      %get3A_75 = arith.constant 96 : index
      %get3A_76 = tpu.vector_load %arg9[%get3A_74, %get3A_75] {strides = array<i32>} : memref<79x128xi32, #tpu.memory_space<vmem>>, vector<16xi32>,
      tpu.vector_store_idx %arg11[%get3A_76], %broadcast_in_dim3A_40 {add = true} : memref<10240xf32, #tpu.memory_space<vmem>>[vector<16xi32>], vector<16xf32>,
      %get3A_77 = arith.index_cast %scan3A_50 : i32 to index
      %get3A_78 = arith.constant 112 : index
      %get3A_79 = tpu.vector_load %arg9[%get3A_77, %get3A_78] {strides = array<i32>} : memref<79x128xi32, #tpu.memory_space<vmem>>, vector<16xi32>,
      tpu.vector_store_idx %arg11[%get3A_79], %broadcast_in_dim3A_40 {add = true} : memref<10240xf32, #tpu.memory_space<vmem>>[vector<16xi32>], vector<16xf32>,
      %dma_wait3A_80 = arith.constant 0 : i32
      %dma_wait3A_81 = tpu.memref_slice %arg8[%scan3A_50, %dma_wait3A_80] : memref<79x128xi32, #tpu.memory_space<vmem>> -> memref<1x128xi32, #tpu.memory_space<vmem>>
      %dma_wait3A_82 = tpu.memref_squeeze %dma_wait3A_81 : memref<1x128xi32, #tpu.memory_space<vmem>> -> memref<128xi32, #tpu.memory_space<vmem>>
      %dma_wait3A_83 = arith.constant 0 : i32
      %dma_wait3A_84 = arith.constant 0 : i32
      %dma_wait3A_85 = tpu.memref_slice %arg4[%dma_wait3A_83, %dma_wait3A_84] : memref<10000x128xf32, #tpu.memory_space<hbm>> -> memref<10000x128xf32, #tpu.memory_space<hbm>>
      tpu.wait_indirect_dma semaphore(%arg13 : memref<!tpu.dma_semaphore, #tpu.memory_space<semaphore_mem>>) src(%dma_wait3A_85 : memref<10000x128xf32, #tpu.memory_space<hbm>>) dst(%arg10 : memref<128x128xf32, #tpu.memory_space<vmem>>)
      "tpu.region"() ({
        %run_scoped3A = tpu.sem_alloc : memref<!tpu.dma_semaphore, #tpu.memory_space<semaphore_mem>>
        %dma_start3A_86 = arith.constant 0 : i32
        %dma_start3A_87 = tpu.memref_slice %arg9[%scan3A_50, %dma_start3A_86] : memref<79x128xi32, #tpu.memory_space<vmem>> -> memref<1x128xi32, #tpu.memory_space<vmem>>
        %dma_start3A_88 = tpu.memref_squeeze %dma_start3A_87 : memref<1x128xi32, #tpu.memory_space<vmem>> -> memref<128xi32, #tpu.memory_space<vmem>>
        %dma_start3A_89 = arith.constant 0 : i32
        %dma_start3A_90 = arith.constant 0 : i32
        %dma_start3A_91 = tpu.memref_slice %arg12[%dma_start3A_89, %dma_start3A_90] : memref<10240x128xf32, #tpu.memory_space<vmem_shared>> -> memref<10240x128xf32, #tpu.memory_space<vmem_shared>>
        tpu.enqueue_indirect_dma source(%arg10 : memref<128x128xf32, #tpu.memory_space<vmem>>) target(%dma_start3A_91 : memref<10240x128xf32, #tpu.memory_space<vmem_shared>>) offsets(%dma_start3A_88 : memref<128xi32, #tpu.memory_space<vmem>>) semaphore(%run_scoped3A : memref<!tpu.dma_semaphore, #tpu.memory_space<semaphore_mem>>) {add = true}
        %dma_wait3A_92 = arith.constant 0 : i32
        %dma_wait3A_93 = tpu.memref_slice %arg9[%scan3A_50, %dma_wait3A_92] : memref<79x128xi32, #tpu.memory_space<vmem>> -> memref<1x128xi32, #tpu.memory_space<vmem>>
        %dma_wait3A_94 = tpu.memref_squeeze %dma_wait3A_93 : memref<1x128xi32, #tpu.memory_space<vmem>> -> memref<128xi32, #tpu.memory_space<vmem>>
        %dma_wait3A_95 = arith.constant 0 : i32
        %dma_wait3A_96 = arith.constant 0 : i32
        %dma_wait3A_97 = tpu.memref_slice %arg12[%dma_wait3A_95, %dma_wait3A_96] : memref<10240x128xf32, #tpu.memory_space<vmem_shared>> -> memref<10240x128xf32, #tpu.memory_space<vmem_shared>>
        tpu.wait_indirect_dma semaphore(%run_scoped3A : memref<!tpu.dma_semaphore, #tpu.memory_space<semaphore_mem>>) src(%arg10 : memref<128x128xf32, #tpu.memory_space<vmem>>) dst(%dma_wait3A_97 : memref<10240x128xf32, #tpu.memory_space<vmem_shared>>)
        tpu.yield
      }) : () -> ()
    }
    %scan3A_46 = arith.constant 79 : i32
    %barrier3A_47 = arith.constant 0 : index
    tpu.barrier barrier_id(%barrier3A_47)
    "tpu.region"() ({
      %run_scoped3A = tpu.sem_alloc : memref<!tpu.dma_semaphore, #tpu.memory_space<semaphore_mem>>
      %dma_start3A_50 = arith.constant 0 : i32
      %dma_start3A_51 = tpu.memref_slice %arg6[%arg0, %mul3A_2, %dma_start3A_50] : memref<2x10240x128xf32, #tpu.memory_space<hbm>> -> memref<1x640x128xf32, #tpu.memory_space<hbm>>
      %dma_start3A_52 = tpu.memref_squeeze %dma_start3A_51 : memref<1x640x128xf32, #tpu.memory_space<hbm>> -> memref<640x128xf32, #tpu.memory_space<hbm>>
      %dma_start3A_53 = arith.constant 0 : i32
      %dma_start3A_54 = tpu.memref_slice %arg12[%mul3A_2, %dma_start3A_53] : memref<10240x128xf32, #tpu.memory_space<vmem_shared>> -> memref<640x128xf32, #tpu.memory_space<vmem_shared>>
      tpu.enqueue_dma source(%dma_start3A_54 : memref<640x128xf32, #tpu.memory_space<vmem_shared>>) target(%dma_start3A_52 : memref<640x128xf32, #tpu.memory_space<hbm>>) target_semaphore(%run_scoped3A : memref<!tpu.dma_semaphore, #tpu.memory_space<semaphore_mem>>)
      %dma_wait3A_55 = arith.constant 0 : i32
      %dma_wait3A_56 = tpu.memref_slice %arg6[%arg0, %mul3A_2, %dma_wait3A_55] : memref<2x10240x128xf32, #tpu.memory_space<hbm>> -> memref<1x640x128xf32, #tpu.memory_space<hbm>>
      %dma_wait3A_57 = tpu.memref_squeeze %dma_wait3A_56 : memref<1x640x128xf32, #tpu.memory_space<hbm>> -> memref<640x128xf32, #tpu.memory_space<hbm>>
      %dma_wait3A_58 = arith.constant 0 : i32
      %dma_wait3A_59 = tpu.memref_slice %arg12[%mul3A_2, %dma_wait3A_58] : memref<10240x128xf32, #tpu.memory_space<vmem_shared>> -> memref<640x128xf32, #tpu.memory_space<vmem_shared>>
      tpu.wait_dma2 semaphore(%run_scoped3A : memref<!tpu.dma_semaphore, #tpu.memory_space<semaphore_mem>>) src(%dma_wait3A_59 : memref<640x128xf32, #tpu.memory_space<vmem_shared>>) dst(%dma_wait3A_57 : memref<640x128xf32, #tpu.memory_space<hbm>>)
      tpu.yield
    }) : () -> ()
    %mul3A_48 = arith.constant 10240 : i32
    %mul3A_49 = arith.muli %add3A, %mul3A_48 : i32
    "tpu.region"() ({
      %run_scoped3A = tpu.sem_alloc : memref<!tpu.dma_semaphore, #tpu.memory_space<semaphore_mem>>
      %dma_start3A_50 = tpu.memref_slice %arg7[%mul3A_49] : memref<327680xf32, #tpu.memory_space<hbm>> -> memref<10240xf32, #tpu.memory_space<hbm>>
      %dma_start3A_51 = tpu.memref_slice %arg7[%mul3A_49] : memref<327680xf32, #tpu.memory_space<hbm>> -> memref<10240xf32, #tpu.memory_space<hbm>>
      tpu.enqueue_dma source(%arg11 : memref<10240xf32, #tpu.memory_space<vmem>>) target(%dma_start3A_51 : memref<10240xf32, #tpu.memory_space<hbm>>) target_semaphore(%run_scoped3A : memref<!tpu.dma_semaphore, #tpu.memory_space<semaphore_mem>>)
      %dma_wait3A_52 = tpu.memref_slice %arg7[%mul3A_49] : memref<327680xf32, #tpu.memory_space<hbm>> -> memref<10240xf32, #tpu.memory_space<hbm>>
      %dma_wait3A_53 = tpu.memref_slice %arg7[%mul3A_49] : memref<327680xf32, #tpu.memory_space<hbm>> -> memref<10240xf32, #tpu.memory_space<hbm>>
      tpu.wait_dma2 semaphore(%run_scoped3A : memref<!tpu.dma_semaphore, #tpu.memory_space<semaphore_mem>>) src(%arg11 : memref<10240xf32, #tpu.memory_space<vmem>>) dst(%dma_wait3A_53 : memref<10240xf32, #tpu.memory_space<hbm>>)
      tpu.yield
    }) : () -> ()
    return
  }
}

#map = affine_map<(d0, d1) -> (0, 0, 0)>
#map1 = affine_map<(d0, d1) -> (0, 0)>
#map2 = affine_map<(d0, d1) -> (0)>
module attributes {stable_mosaic.version = 14 : i64} {
  func.func @k(%arg0: i32, %arg1: i32, %arg2: memref<32x79x128xi32, #tpu.memory_space<hbm>>, %arg3: memref<32x79x128xi32, #tpu.memory_space<hbm>>, %arg4: memref<10000x128xf32, #tpu.memory_space<hbm>>, %arg5: memref<640x128xf32, #tpu.memory_space<hbm>>, %arg6: memref<2x10240x128xf32, #tpu.memory_space<hbm>>, %arg7: memref<327680xf32, #tpu.memory_space<hbm>>, %arg8: memref<79x128xi32, #tpu.memory_space<vmem>>, %arg9: memref<79x128xi32, #tpu.memory_space<vmem>>, %arg10: memref<128x128xf32, #tpu.memory_space<vmem>>, %arg11: memref<10240xf32, #tpu.memory_space<vmem>>, %arg12: memref<10240x128xf32, #tpu.memory_space<vmem_shared>>, %arg13: memref<!tpu.dma_semaphore, #tpu.memory_space<semaphore_mem>>, %arg14: memref<!tpu.dma_semaphore, #tpu.memory_space<semaphore_mem>>) attributes {dimension_semantics = [#tpu.dimension_semantics<core_parallel>, #tpu.dimension_semantics<subcore_parallel>], iteration_bounds = array<i64: 2, 16>, scalar_prefetch = 0 : i64, scratch_operands = 7 : i64, tpu.core_type = #tpu.core_type<sc_vector_subcore>, window_params = [{transform_indices = #map}, {transform_indices = #map}, {transform_indices = #map1}, {transform_indices = #map1}, {transform_indices = #map}, {transform_indices = #map2}]} {
    %mul3A = arith.constant 2 : i32
    %mul3A_0 = arith.muli %arg1, %mul3A : i32
    %add3A = arith.addi %mul3A_0, %arg0 : i32
    %mul3A_1 = arith.constant 640 : i32
    %mul3A_2 = arith.muli %arg1, %mul3A_1 : i32
    %dma_start3A = arith.constant 0 : i32
    %dma_start3A_3 = arith.constant 0 : i32
    %dma_start3A_4 = tpu.memref_slice %arg2[%add3A, %dma_start3A, %dma_start3A_3] : memref<32x79x128xi32, #tpu.memory_space<hbm>> -> memref<1x79x128xi32, #tpu.memory_space<hbm>>
    %dma_start3A_5 = tpu.memref_squeeze %dma_start3A_4 : memref<1x79x128xi32, #tpu.memory_space<hbm>> -> memref<79x128xi32, #tpu.memory_space<hbm>>
    %dma_start3A_6 = arith.constant 0 : i32
    %dma_start3A_7 = arith.constant 0 : i32
    %dma_start3A_8 = tpu.memref_slice %arg2[%add3A, %dma_start3A_6, %dma_start3A_7] : memref<32x79x128xi32, #tpu.memory_space<hbm>> -> memref<1x79x128xi32, #tpu.memory_space<hbm>>
    %dma_start3A_9 = tpu.memref_squeeze %dma_start3A_8 : memref<1x79x128xi32, #tpu.memory_space<hbm>> -> memref<79x128xi32, #tpu.memory_space<hbm>>
    tpu.enqueue_dma source(%dma_start3A_9 : memref<79x128xi32, #tpu.memory_space<hbm>>) target(%arg8 : memref<79x128xi32, #tpu.memory_space<vmem>>) target_semaphore(%arg14 : memref<!tpu.dma_semaphore, #tpu.memory_space<semaphore_mem>>)
    %dma_start3A_10 = arith.constant 0 : i32
    %dma_start3A_11 = arith.constant 0 : i32
    %dma_start3A_12 = tpu.memref_slice %arg3[%add3A, %dma_start3A_10, %dma_start3A_11] : memref<32x79x128xi32, #tpu.memory_space<hbm>> -> memref<1x79x128xi32, #tpu.memory_space<hbm>>
    %dma_start3A_13 = tpu.memref_squeeze %dma_start3A_12 : memref<1x79x128xi32, #tpu.memory_space<hbm>> -> memref<79x128xi32, #tpu.memory_space<hbm>>
    %dma_start3A_14 = arith.constant 0 : i32
    %dma_start3A_15 = arith.constant 0 : i32
    %dma_start3A_16 = tpu.memref_slice %arg3[%add3A, %dma_start3A_14, %dma_start3A_15] : memref<32x79x128xi32, #tpu.memory_space<hbm>> -> memref<1x79x128xi32, #tpu.memory_space<hbm>>
    %dma_start3A_17 = tpu.memref_squeeze %dma_start3A_16 : memref<1x79x128xi32, #tpu.memory_space<hbm>> -> memref<79x128xi32, #tpu.memory_space<hbm>>
    tpu.enqueue_dma source(%dma_start3A_17 : memref<79x128xi32, #tpu.memory_space<hbm>>) target(%arg9 : memref<79x128xi32, #tpu.memory_space<vmem>>) target_semaphore(%arg14 : memref<!tpu.dma_semaphore, #tpu.memory_space<semaphore_mem>>)
    "tpu.region"() ({
      %run_scoped3A = tpu.sem_alloc : memref<!tpu.dma_semaphore, #tpu.memory_space<semaphore_mem>>
      %dma_start3A_50 = arith.constant 0 : i32
      %dma_start3A_51 = tpu.memref_slice %arg12[%mul3A_2, %dma_start3A_50] : memref<10240x128xf32, #tpu.memory_space<vmem_shared>> -> memref<640x128xf32, #tpu.memory_space<vmem_shared>>
      tpu.enqueue_dma source(%arg5 : memref<640x128xf32, #tpu.memory_space<hbm>>) target(%dma_start3A_51 : memref<640x128xf32, #tpu.memory_space<vmem_shared>>) target_semaphore(%run_scoped3A : memref<!tpu.dma_semaphore, #tpu.memory_space<semaphore_mem>>)
      %dma_wait3A_52 = arith.constant 0 : i32
      %dma_wait3A_53 = tpu.memref_slice %arg12[%mul3A_2, %dma_wait3A_52] : memref<10240x128xf32, #tpu.memory_space<vmem_shared>> -> memref<640x128xf32, #tpu.memory_space<vmem_shared>>
      tpu.wait_dma2 semaphore(%run_scoped3A : memref<!tpu.dma_semaphore, #tpu.memory_space<semaphore_mem>>) src(%arg5 : memref<640x128xf32, #tpu.memory_space<hbm>>) dst(%dma_wait3A_53 : memref<640x128xf32, #tpu.memory_space<vmem_shared>>)
      tpu.yield
    }) : () -> ()
    %scan3A = arith.constant 0 : i32
    %scan3A_18 = arith.constant 0 : i32
    %scan3A_19 = arith.constant 640 : i32
    %scan3A_20 = arith.addi %scan3A_18, %scan3A_19 : i32
    %scan3A_21 = arith.constant 1 : i32
    scf.for %scan3A_50 = %scan3A_18 to %scan3A_20 step %scan3A_21  : i32 {
      %broadcast_in_dim3A_51 = arith.constant 0.000000e+00 : f32
      %broadcast_in_dim3A_52 = vector.broadcast %broadcast_in_dim3A_51 : f32 to vector<16xf32>
      %mul3A_53 = arith.constant 16 : i32
      %mul3A_54 = arith.muli %scan3A_50, %mul3A_53 : i32
      %swap3A = arith.index_cast %mul3A_54 : i32 to index
      %swap3A_55 = tpu.vector_load %arg11[%swap3A] {strides = array<i32>} : memref<10240xf32, #tpu.memory_space<vmem>>, vector<16xf32>,
      tpu.vector_store %arg11[%swap3A], %broadcast_in_dim3A_52 {strides = array<i32>} : memref<10240xf32, #tpu.memory_space<vmem>>, vector<16xf32>,
    }
    %scan3A_22 = arith.constant 640 : i32
    %dma_wait3A = arith.constant 0 : i32
    %dma_wait3A_23 = arith.constant 0 : i32
    %dma_wait3A_24 = arith.constant 0 : i32
    %dma_wait3A_25 = tpu.memref_slice %arg2[%dma_wait3A, %dma_wait3A_23, %dma_wait3A_24] : memref<32x79x128xi32, #tpu.memory_space<hbm>> -> memref<1x79x128xi32, #tpu.memory_space<hbm>>
    %dma_wait3A_26 = tpu.memref_squeeze %dma_wait3A_25 : memref<1x79x128xi32, #tpu.memory_space<hbm>> -> memref<79x128xi32, #tpu.memory_space<hbm>>
    %dma_wait3A_27 = arith.constant 0 : i32
    %dma_wait3A_28 = arith.constant 0 : i32
    %dma_wait3A_29 = tpu.memref_slice %arg2[%dma_wait3A, %dma_wait3A_27, %dma_wait3A_28] : memref<32x79x128xi32, #tpu.memory_space<hbm>> -> memref<1x79x128xi32, #tpu.memory_space<hbm>>
    %dma_wait3A_30 = tpu.memref_squeeze %dma_wait3A_29 : memref<1x79x128xi32, #tpu.memory_space<hbm>> -> memref<79x128xi32, #tpu.memory_space<hbm>>
    tpu.wait_dma2 semaphore(%arg14 : memref<!tpu.dma_semaphore, #tpu.memory_space<semaphore_mem>>) src(%dma_wait3A_30 : memref<79x128xi32, #tpu.memory_space<hbm>>) dst(%arg8 : memref<79x128xi32, #tpu.memory_space<vmem>>)
    %dma_wait3A_31 = arith.constant 0 : i32
    %dma_wait3A_32 = arith.constant 0 : i32
    %dma_wait3A_33 = arith.constant 0 : i32
    %dma_wait3A_34 = tpu.memref_slice %arg3[%dma_wait3A_31, %dma_wait3A_32, %dma_wait3A_33] : memref<32x79x128xi32, #tpu.memory_space<hbm>> -> memref<1x79x128xi32, #tpu.memory_space<hbm>>
    %dma_wait3A_35 = tpu.memref_squeeze %dma_wait3A_34 : memref<1x79x128xi32, #tpu.memory_space<hbm>> -> memref<79x128xi32, #tpu.memory_space<hbm>>
    %dma_wait3A_36 = arith.constant 0 : i32
    %dma_wait3A_37 = arith.constant 0 : i32
    %dma_wait3A_38 = tpu.memref_slice %arg3[%dma_wait3A_31, %dma_wait3A_36, %dma_wait3A_37] : memref<32x79x128xi32, #tpu.memory_space<hbm>> -> memref<1x79x128xi32, #tpu.memory_space<hbm>>
    %dma_wait3A_39 = tpu.memref_squeeze %dma_wait3A_38 : memref<1x79x128xi32, #tpu.memory_space<hbm>> -> memref<79x128xi32, #tpu.memory_space<hbm>>
    tpu.wait_dma2 semaphore(%arg14 : memref<!tpu.dma_semaphore, #tpu.memory_space<semaphore_mem>>) src(%dma_wait3A_39 : memref<79x128xi32, #tpu.memory_space<hbm>>) dst(%arg9 : memref<79x128xi32, #tpu.memory_space<vmem>>)
    %barrier3A = arith.constant 0 : index
    tpu.barrier barrier_id(%barrier3A)
    %broadcast_in_dim3A = arith.constant 1.000000e+00 : f32
    %broadcast_in_dim3A_40 = vector.broadcast %broadcast_in_dim3A : f32 to vector<16xf32>
    %scan3A_41 = arith.constant 0 : i32
    %scan3A_42 = arith.constant 0 : i32
    %scan3A_43 = arith.constant 79 : i32
    %scan3A_44 = arith.addi %scan3A_42, %scan3A_43 : i32
    %scan3A_45 = arith.constant 1 : i32
    scf.for %scan3A_50 = %scan3A_42 to %scan3A_44 step %scan3A_45  : i32 {
      %dma_start3A_51 = arith.constant 0 : i32
      %dma_start3A_52 = tpu.memref_slice %arg8[%scan3A_50, %dma_start3A_51] : memref<79x128xi32, #tpu.memory_space<vmem>> -> memref<1x128xi32, #tpu.memory_space<vmem>>
      %dma_start3A_53 = tpu.memref_squeeze %dma_start3A_52 : memref<1x128xi32, #tpu.memory_space<vmem>> -> memref<128xi32, #tpu.memory_space<vmem>>
      %dma_start3A_54 = arith.constant 0 : i32
      %dma_start3A_55 = arith.constant 0 : i32
      %dma_start3A_56 = tpu.memref_slice %arg4[%dma_start3A_54, %dma_start3A_55] : memref<10000x128xf32, #tpu.memory_space<hbm>> -> memref<10000x128xf32, #tpu.memory_space<hbm>>
      tpu.enqueue_indirect_dma source(%dma_start3A_56 : memref<10000x128xf32, #tpu.memory_space<hbm>>) target(%arg10 : memref<128x128xf32, #tpu.memory_space<vmem>>) offsets(%dma_start3A_53 : memref<128xi32, #tpu.memory_space<vmem>>) semaphore(%arg13 : memref<!tpu.dma_semaphore, #tpu.memory_space<semaphore_mem>>)
      %get3A = arith.index_cast %scan3A_50 : i32 to index
      %get3A_57 = arith.constant 0 : index
      %get3A_58 = tpu.vector_load %arg9[%get3A, %get3A_57] {strides = array<i32>} : memref<79x128xi32, #tpu.memory_space<vmem>>, vector<16xi32>,
      tpu.vector_store_idx %arg11[%get3A_58], %broadcast_in_dim3A_40 {add = true} : memref<10240xf32, #tpu.memory_space<vmem>>[vector<16xi32>], vector<16xf32>,
      %get3A_59 = arith.index_cast %scan3A_50 : i32 to index
      %get3A_60 = arith.constant 16 : index
      %get3A_61 = tpu.vector_load %arg9[%get3A_59, %get3A_60] {strides = array<i32>} : memref<79x128xi32, #tpu.memory_space<vmem>>, vector<16xi32>,
      tpu.vector_store_idx %arg11[%get3A_61], %broadcast_in_dim3A_40 {add = true} : memref<10240xf32, #tpu.memory_space<vmem>>[vector<16xi32>], vector<16xf32>,
      %get3A_62 = arith.index_cast %scan3A_50 : i32 to index
      %get3A_63 = arith.constant 32 : index
      %get3A_64 = tpu.vector_load %arg9[%get3A_62, %get3A_63] {strides = array<i32>} : memref<79x128xi32, #tpu.memory_space<vmem>>, vector<16xi32>,
      tpu.vector_store_idx %arg11[%get3A_64], %broadcast_in_dim3A_40 {add = true} : memref<10240xf32, #tpu.memory_space<vmem>>[vector<16xi32>], vector<16xf32>,
      %get3A_65 = arith.index_cast %scan3A_50 : i32 to index
      %get3A_66 = arith.constant 48 : index
      %get3A_67 = tpu.vector_load %arg9[%get3A_65, %get3A_66] {strides = array<i32>} : memref<79x128xi32, #tpu.memory_space<vmem>>, vector<16xi32>,
      tpu.vector_store_idx %arg11[%get3A_67], %broadcast_in_dim3A_40 {add = true} : memref<10240xf32, #tpu.memory_space<vmem>>[vector<16xi32>], vector<16xf32>,
      %get3A_68 = arith.index_cast %scan3A_50 : i32 to index
      %get3A_69 = arith.constant 64 : index
      %get3A_70 = tpu.vector_load %arg9[%get3A_68, %get3A_69] {strides = array<i32>} : memref<79x128xi32, #tpu.memory_space<vmem>>, vector<16xi32>,
      tpu.vector_store_idx %arg11[%get3A_70], %broadcast_in_dim3A_40 {add = true} : memref<10240xf32, #tpu.memory_space<vmem>>[vector<16xi32>], vector<16xf32>,
      %get3A_71 = arith.index_cast %scan3A_50 : i32 to index
      %get3A_72 = arith.constant 80 : index
      %get3A_73 = tpu.vector_load %arg9[%get3A_71, %get3A_72] {strides = array<i32>} : memref<79x128xi32, #tpu.memory_space<vmem>>, vector<16xi32>,
      tpu.vector_store_idx %arg11[%get3A_73], %broadcast_in_dim3A_40 {add = true} : memref<10240xf32, #tpu.memory_space<vmem>>[vector<16xi32>], vector<16xf32>,
      %get3A_74 = arith.index_cast %scan3A_50 : i32 to index
      %get3A_75 = arith.constant 96 : index
      %get3A_76 = tpu.vector_load %arg9[%get3A_74, %get3A_75] {strides = array<i32>} : memref<79x128xi32, #tpu.memory_space<vmem>>, vector<16xi32>,
      tpu.vector_store_idx %arg11[%get3A_76], %broadcast_in_dim3A_40 {add = true} : memref<10240xf32, #tpu.memory_space<vmem>>[vector<16xi32>], vector<16xf32>,
      %get3A_77 = arith.index_cast %scan3A_50 : i32 to index
      %get3A_78 = arith.constant 112 : index
      %get3A_79 = tpu.vector_load %arg9[%get3A_77, %get3A_78] {strides = array<i32>} : memref<79x128xi32, #tpu.memory_space<vmem>>, vector<16xi32>,
      tpu.vector_store_idx %arg11[%get3A_79], %broadcast_in_dim3A_40 {add = true} : memref<10240xf32, #tpu.memory_space<vmem>>[vector<16xi32>], vector<16xf32>,
      %dma_wait3A_80 = arith.constant 0 : i32
      %dma_wait3A_81 = tpu.memref_slice %arg8[%scan3A_50, %dma_wait3A_80] : memref<79x128xi32, #tpu.memory_space<vmem>> -> memref<1x128xi32, #tpu.memory_space<vmem>>
      %dma_wait3A_82 = tpu.memref_squeeze %dma_wait3A_81 : memref<1x128xi32, #tpu.memory_space<vmem>> -> memref<128xi32, #tpu.memory_space<vmem>>
      %dma_wait3A_83 = arith.constant 0 : i32
      %dma_wait3A_84 = arith.constant 0 : i32
      %dma_wait3A_85 = tpu.memref_slice %arg4[%dma_wait3A_83, %dma_wait3A_84] : memref<10000x128xf32, #tpu.memory_space<hbm>> -> memref<10000x128xf32, #tpu.memory_space<hbm>>
      tpu.wait_indirect_dma semaphore(%arg13 : memref<!tpu.dma_semaphore, #tpu.memory_space<semaphore_mem>>) src(%dma_wait3A_85 : memref<10000x128xf32, #tpu.memory_space<hbm>>) dst(%arg10 : memref<128x128xf32, #tpu.memory_space<vmem>>)
      "tpu.region"() ({
        %run_scoped3A = tpu.sem_alloc : memref<!tpu.dma_semaphore, #tpu.memory_space<semaphore_mem>>
        %dma_start3A_86 = arith.constant 0 : i32
        %dma_start3A_87 = tpu.memref_slice %arg9[%scan3A_50, %dma_start3A_86] : memref<79x128xi32, #tpu.memory_space<vmem>> -> memref<1x128xi32, #tpu.memory_space<vmem>>
        %dma_start3A_88 = tpu.memref_squeeze %dma_start3A_87 : memref<1x128xi32, #tpu.memory_space<vmem>> -> memref<128xi32, #tpu.memory_space<vmem>>
        %dma_start3A_89 = arith.constant 0 : i32
        %dma_start3A_90 = arith.constant 0 : i32
        %dma_start3A_91 = tpu.memref_slice %arg12[%dma_start3A_89, %dma_start3A_90] : memref<10240x128xf32, #tpu.memory_space<vmem_shared>> -> memref<10240x128xf32, #tpu.memory_space<vmem_shared>>
        tpu.enqueue_indirect_dma source(%arg10 : memref<128x128xf32, #tpu.memory_space<vmem>>) target(%dma_start3A_91 : memref<10240x128xf32, #tpu.memory_space<vmem_shared>>) offsets(%dma_start3A_88 : memref<128xi32, #tpu.memory_space<vmem>>) semaphore(%run_scoped3A : memref<!tpu.dma_semaphore, #tpu.memory_space<semaphore_mem>>) {add = true}
        %dma_wait3A_92 = arith.constant 0 : i32
        %dma_wait3A_93 = tpu.memref_slice %arg9[%scan3A_50, %dma_wait3A_92] : memref<79x128xi32, #tpu.memory_space<vmem>> -> memref<1x128xi32, #tpu.memory_space<vmem>>
        %dma_wait3A_94 = tpu.memref_squeeze %dma_wait3A_93 : memref<1x128xi32, #tpu.memory_space<vmem>> -> memref<128xi32, #tpu.memory_space<vmem>>
        %dma_wait3A_95 = arith.constant 0 : i32
        %dma_wait3A_96 = arith.constant 0 : i32
        %dma_wait3A_97 = tpu.memref_slice %arg12[%dma_wait3A_95, %dma_wait3A_96] : memref<10240x128xf32, #tpu.memory_space<vmem_shared>> -> memref<10240x128xf32, #tpu.memory_space<vmem_shared>>
        tpu.wait_indirect_dma semaphore(%run_scoped3A : memref<!tpu.dma_semaphore, #tpu.memory_space<semaphore_mem>>) src(%arg10 : memref<128x128xf32, #tpu.memory_space<vmem>>) dst(%dma_wait3A_97 : memref<10240x128xf32, #tpu.memory_space<vmem_shared>>)
        tpu.yield
      }) : () -> ()
    }
    %scan3A_46 = arith.constant 79 : i32
    %barrier3A_47 = arith.constant 0 : index
    tpu.barrier barrier_id(%barrier3A_47)
    "tpu.region"() ({
      %run_scoped3A = tpu.sem_alloc : memref<!tpu.dma_semaphore, #tpu.memory_space<semaphore_mem>>
      %dma_start3A_50 = arith.constant 0 : i32
      %dma_start3A_51 = tpu.memref_slice %arg6[%arg0, %mul3A_2, %dma_start3A_50] : memref<2x10240x128xf32, #tpu.memory_space<hbm>> -> memref<1x640x128xf32, #tpu.memory_space<hbm>>
      %dma_start3A_52 = tpu.memref_squeeze %dma_start3A_51 : memref<1x640x128xf32, #tpu.memory_space<hbm>> -> memref<640x128xf32, #tpu.memory_space<hbm>>
      %dma_start3A_53 = arith.constant 0 : i32
      %dma_start3A_54 = tpu.memref_slice %arg12[%mul3A_2, %dma_start3A_53] : memref<10240x128xf32, #tpu.memory_space<vmem_shared>> -> memref<640x128xf32, #tpu.memory_space<vmem_shared>>
      tpu.enqueue_dma source(%dma_start3A_54 : memref<640x128xf32, #tpu.memory_space<vmem_shared>>) target(%dma_start3A_52 : memref<640x128xf32, #tpu.memory_space<hbm>>) target_semaphore(%run_scoped3A : memref<!tpu.dma_semaphore, #tpu.memory_space<semaphore_mem>>)
      %dma_wait3A_55 = arith.constant 0 : i32
      %dma_wait3A_56 = tpu.memref_slice %arg6[%arg0, %mul3A_2, %dma_wait3A_55] : memref<2x10240x128xf32, #tpu.memory_space<hbm>> -> memref<1x640x128xf32, #tpu.memory_space<hbm>>
      %dma_wait3A_57 = tpu.memref_squeeze %dma_wait3A_56 : memref<1x640x128xf32, #tpu.memory_space<hbm>> -> memref<640x128xf32, #tpu.memory_space<hbm>>
      %dma_wait3A_58 = arith.constant 0 : i32
      %dma_wait3A_59 = tpu.memref_slice %arg12[%mul3A_2, %dma_wait3A_58] : memref<10240x128xf32, #tpu.memory_space<vmem_shared>> -> memref<640x128xf32, #tpu.memory_space<vmem_shared>>
      tpu.wait_dma2 semaphore(%run_scoped3A : memref<!tpu.dma_semaphore, #tpu.memory_space<semaphore_mem>>) src(%dma_wait3A_59 : memref<640x128xf32, #tpu.memory_space<vmem_shared>>) dst(%dma_wait3A_57 : memref<640x128xf32, #tpu.memory_space<hbm>>)
      tpu.yield
    }) : () -> ()
    %mul3A_48 = arith.constant 10240 : i32
    %mul3A_49 = arith.muli %add3A, %mul3A_48 : i32
    "tpu.region"() ({
      %run_scoped3A = tpu.sem_alloc : memref<!tpu.dma_semaphore, #tpu.memory_space<semaphore_mem>>
      %dma_start3A_50 = tpu.memref_slice %arg7[%mul3A_49] : memref<327680xf32, #tpu.memory_space<hbm>> -> memref<10240xf32, #tpu.memory_space<hbm>>
      %dma_start3A_51 = tpu.memref_slice %arg7[%mul3A_49] : memref<327680xf32, #tpu.memory_space<hbm>> -> memref<10240xf32, #tpu.memory_space<hbm>>
      tpu.enqueue_dma source(%arg11 : memref<10240xf32, #tpu.memory_space<vmem>>) target(%dma_start3A_51 : memref<10240xf32, #tpu.memory_space<hbm>>) target_semaphore(%run_scoped3A : memref<!tpu.dma_semaphore, #tpu.memory_space<semaphore_mem>>)
      %dma_wait3A_52 = tpu.memref_slice %arg7[%mul3A_49] : memref<327680xf32, #tpu.memory_space<hbm>> -> memref<10240xf32, #tpu.memory_space<hbm>>
      %dma_wait3A_53 = tpu.memref_slice %arg7[%mul3A_49] : memref<327680xf32, #tpu.memory_space<hbm>> -> memref<10240xf32, #tpu.memory_space<hbm>>
      tpu.wait_dma2 semaphore(%run_scoped3A : memref<!tpu.dma_semaphore, #tpu.memory_space<semaphore_mem>>) src(%arg11 : memref<10240xf32, #tpu.memory_space<vmem>>) dst(%dma_wait3A_53 : memref<10240xf32, #tpu.memory_space<hbm>>)
      tpu.yield
    }) : () -> ()
    return
  }
}

module attributes {stable_mosaic.version = 14 : i64} {
  func.func @body(%arg0: i32, %arg1: memref<1000x128xf32, #tpu.memory_space<vmem>>, %arg2: memref<1000x128xf32, #tpu.memory_space<vmem>>, %arg3: memref<1000x128xf32, #tpu.memory_space<vmem>>, %arg4: memref<1000x32xf32, #tpu.memory_space<vmem>>, %arg5: memref<128x128xf32, #tpu.memory_space<vmem>>, %arg6: memref<128x128xf32, #tpu.memory_space<vmem>>, %arg7: memref<1x128xf32, #tpu.memory_space<vmem>>, %arg8: memref<1000x128xf32, #tpu.memory_space<vmem>>) attributes {dimension_semantics = [#tpu.dimension_semantics<arbitrary>], iteration_bounds = array<i64: 10>, scalar_prefetch = 0 : i64, scratch_operands = 0 : i64, tpu.core_type = #tpu.core_type<tc>, window_params = [{transform_indices = @transform_0, window_bounds = array<i64: 1000, 128>}, {transform_indices = @transform_1, window_bounds = array<i64: 1000, 128>}, {transform_indices = @transform_2, window_bounds = array<i64: 1000, 128>}, {transform_indices = @transform_3, window_bounds = array<i64: 1000, 32>}, {pipeline_mode = #tpu.pipeline_mode<synchronous>, transform_indices = @transform_4, window_bounds = array<i64: 128, 128>}, {pipeline_mode = #tpu.pipeline_mode<synchronous>, transform_indices = @transform_5, window_bounds = array<i64: 128, 128>}, {pipeline_mode = #tpu.pipeline_mode<synchronous>, transform_indices = @transform_6, window_bounds = array<i64: 1, 128>}, {transform_indices = @transform_7, window_bounds = array<i64: 1000, 128>}]} {
    %get3A = arith.constant 0 : index
    %get3A_0 = arith.constant 0 : index
    %get3A_1 = vector.load %arg4[%get3A, %get3A_0] : memref<1000x32xf32, #tpu.memory_space<vmem>>, vector<1000x32xf32>
    %reduce_sum3A = arith.constant dense<0.000000e+00> : vector<1000xf32>
    %reduce_sum3A_2 = vector.multi_reduction <add>, %get3A_1, %reduce_sum3A [1] : vector<1000x32xf32> to vector<1000xf32>
    %broadcast_in_dim3A = vector.shape_cast %reduce_sum3A_2 : vector<1000xf32> to vector<1000x1xf32>
    %max3A = arith.constant 1.000000e+00 : f32
    %max3A_3 = vector.broadcast %max3A : f32 to vector<1000x1xf32>
    %max3A_4 = arith.maximumf %broadcast_in_dim3A, %max3A_3 : vector<1000x1xf32>
    %div3A = arith.constant 1.000000e+00 : f32
    %div3A_5 = vector.broadcast %div3A : f32 to vector<1000x1xf32>
    %div3A_6 = arith.divf %div3A_5, %max3A_4 : vector<1000x1xf32>
    %get3A_7 = arith.constant 0 : index
    %get3A_8 = arith.constant 0 : index
    %get3A_9 = vector.load %arg2[%get3A_7, %get3A_8] : memref<1000x128xf32, #tpu.memory_space<vmem>>, vector<1000x128xf32>
    %get3A_10 = arith.constant 0 : index
    %get3A_11 = arith.constant 0 : index
    %get3A_12 = vector.load %arg3[%get3A_10, %get3A_11] : memref<1000x128xf32, #tpu.memory_space<vmem>>, vector<1000x128xf32>
    %add3A = arith.addf %get3A_9, %get3A_12 : vector<1000x128xf32>
    %mul3A = vector.broadcast %div3A_6 : vector<1000x1xf32> to vector<1000x128xf32>
    %mul3A_13 = arith.mulf %add3A, %mul3A : vector<1000x128xf32>
    %get3A_14 = arith.constant 0 : index
    %get3A_15 = arith.constant 0 : index
    %get3A_16 = vector.load %arg1[%get3A_14, %get3A_15] : memref<1000x128xf32, #tpu.memory_space<vmem>>, vector<1000x128xf32>
    %get3A_17 = arith.constant 0 : index
    %get3A_18 = arith.constant 0 : index
    %get3A_19 = vector.load %arg5[%get3A_17, %get3A_18] : memref<128x128xf32, #tpu.memory_space<vmem>>, vector<128x128xf32>
    %dot_general3A = arith.constant dense<0.000000e+00> : vector<1000x128xf32>
    %dot_general3A_20 = tpu.matmul %get3A_16, %get3A_19, %dot_general3A {dimension_numbers = #tpu.dot_dimension_numbers<[1], [0], [0], [1], [0, 0, 1, 1], [], []>, transpose_lhs_hint = false} : vector<1000x128xf32>, vector<128x128xf32>, vector<1000x128xf32> -> vector<1000x128xf32>
    %get3A_21 = arith.constant 0 : index
    %get3A_22 = arith.constant 0 : index
    %get3A_23 = vector.load %arg6[%get3A_21, %get3A_22] : memref<128x128xf32, #tpu.memory_space<vmem>>, vector<128x128xf32>
    %dot_general3A_24 = arith.constant dense<0.000000e+00> : vector<1000x128xf32>
    %dot_general3A_25 = tpu.matmul %mul3A_13, %get3A_23, %dot_general3A_24 {dimension_numbers = #tpu.dot_dimension_numbers<[1], [0], [0], [1], [0, 0, 1, 1], [], []>, transpose_lhs_hint = false} : vector<1000x128xf32>, vector<128x128xf32>, vector<1000x128xf32> -> vector<1000x128xf32>
    %add3A_26 = arith.addf %dot_general3A_20, %dot_general3A_25 : vector<1000x128xf32>
    %get3A_27 = arith.constant 0 : index
    %get3A_28 = arith.constant 0 : index
    %get3A_29 = vector.load %arg7[%get3A_27, %get3A_28] : memref<1x128xf32, #tpu.memory_space<vmem>>, vector<1x128xf32>
    %add3A_30 = vector.broadcast %get3A_29 : vector<1x128xf32> to vector<1000x128xf32>
    %add3A_31 = arith.addf %add3A_26, %add3A_30 : vector<1000x128xf32>
    %max3A_32 = arith.constant 0.000000e+00 : f32
    %max3A_33 = vector.broadcast %max3A_32 : f32 to vector<1000x128xf32>
    %max3A_34 = arith.maximumf %add3A_31, %max3A_33 : vector<1000x128xf32>
    %swap3A = arith.constant 0 : index
    %swap3A_35 = arith.constant 0 : index
    %swap3A_36 = vector.load %arg8[%swap3A, %swap3A_35] : memref<1000x128xf32, #tpu.memory_space<vmem>>, vector<1000x128xf32>
    tpu.vector_store %arg8[%swap3A, %swap3A_35], %max3A_34 {strides = array<i32>} : memref<1000x128xf32, #tpu.memory_space<vmem>>, vector<1000x128xf32>,
    return
  }
  func.func @transform_0(%arg0: i32) -> (i32, i32) {
    %c0_i32 = arith.constant 0 : i32
    %c0_i32_0 = arith.constant 0 : i32
    return %arg0, %c0_i32 : i32, i32
  }
  func.func @transform_1(%arg0: i32) -> (i32, i32) {
    %c0_i32 = arith.constant 0 : i32
    %c0_i32_0 = arith.constant 0 : i32
    return %arg0, %c0_i32 : i32, i32
  }
  func.func @transform_2(%arg0: i32) -> (i32, i32) {
    %c0_i32 = arith.constant 0 : i32
    %c0_i32_0 = arith.constant 0 : i32
    return %arg0, %c0_i32 : i32, i32
  }
  func.func @transform_3(%arg0: i32) -> (i32, i32) {
    %c0_i32 = arith.constant 0 : i32
    %c0_i32_0 = arith.constant 0 : i32
    return %arg0, %c0_i32 : i32, i32
  }
  func.func @transform_4(%arg0: i32) -> (i32, i32) {
    %c0_i32 = arith.constant 0 : i32
    %c0_i32_0 = arith.constant 0 : i32
    %c0_i32_1 = arith.constant 0 : i32
    return %c0_i32, %c0_i32_0 : i32, i32
  }
  func.func @transform_5(%arg0: i32) -> (i32, i32) {
    %c0_i32 = arith.constant 0 : i32
    %c0_i32_0 = arith.constant 0 : i32
    %c0_i32_1 = arith.constant 0 : i32
    return %c0_i32, %c0_i32_0 : i32, i32
  }
  func.func @transform_6(%arg0: i32) -> (i32, i32) {
    %c0_i32 = arith.constant 0 : i32
    %c0_i32_0 = arith.constant 0 : i32
    %c0_i32_1 = arith.constant 0 : i32
    return %c0_i32, %c0_i32_0 : i32, i32
  }
  func.func @transform_7(%arg0: i32) -> (i32, i32) {
    %c0_i32 = arith.constant 0 : i32
    %c0_i32_0 = arith.constant 0 : i32
    return %arg0, %c0_i32 : i32, i32
  }
}

module attributes {stable_mosaic.version = 14 : i64} {
  func.func @body(%arg0: i32, %arg1: memref<1000x128xf32, #tpu.memory_space<vmem>>, %arg2: memref<1000x128xf32, #tpu.memory_space<vmem>>, %arg3: memref<1000x128xf32, #tpu.memory_space<vmem>>, %arg4: memref<1000x32xf32, #tpu.memory_space<vmem>>, %arg5: memref<128x128xf32, #tpu.memory_space<vmem>>, %arg6: memref<128x128xf32, #tpu.memory_space<vmem>>, %arg7: memref<1x128xf32, #tpu.memory_space<vmem>>, %arg8: memref<1000x128xf32, #tpu.memory_space<vmem>>) attributes {dimension_semantics = [#tpu.dimension_semantics<arbitrary>], iteration_bounds = array<i64: 10>, scalar_prefetch = 0 : i64, scratch_operands = 0 : i64, tpu.core_type = #tpu.core_type<tc>, window_params = [{transform_indices = @transform_0, window_bounds = array<i64: 1000, 128>}, {transform_indices = @transform_1, window_bounds = array<i64: 1000, 128>}, {transform_indices = @transform_2, window_bounds = array<i64: 1000, 128>}, {transform_indices = @transform_3, window_bounds = array<i64: 1000, 32>}, {pipeline_mode = #tpu.pipeline_mode<synchronous>, transform_indices = @transform_4, window_bounds = array<i64: 128, 128>}, {pipeline_mode = #tpu.pipeline_mode<synchronous>, transform_indices = @transform_5, window_bounds = array<i64: 128, 128>}, {pipeline_mode = #tpu.pipeline_mode<synchronous>, transform_indices = @transform_6, window_bounds = array<i64: 1, 128>}, {transform_indices = @transform_7, window_bounds = array<i64: 1000, 128>}]} {
    %get3A = arith.constant 0 : index
    %get3A_0 = arith.constant 0 : index
    %get3A_1 = vector.load %arg4[%get3A, %get3A_0] : memref<1000x32xf32, #tpu.memory_space<vmem>>, vector<1000x32xf32>
    %reduce_sum3A = arith.constant dense<0.000000e+00> : vector<1000xf32>
    %reduce_sum3A_2 = vector.multi_reduction <add>, %get3A_1, %reduce_sum3A [1] : vector<1000x32xf32> to vector<1000xf32>
    %broadcast_in_dim3A = vector.shape_cast %reduce_sum3A_2 : vector<1000xf32> to vector<1000x1xf32>
    %max3A = arith.constant 1.000000e+00 : f32
    %max3A_3 = vector.broadcast %max3A : f32 to vector<1000x1xf32>
    %max3A_4 = arith.maximumf %broadcast_in_dim3A, %max3A_3 : vector<1000x1xf32>
    %div3A = arith.constant 1.000000e+00 : f32
    %div3A_5 = vector.broadcast %div3A : f32 to vector<1000x1xf32>
    %div3A_6 = arith.divf %div3A_5, %max3A_4 : vector<1000x1xf32>
    %get3A_7 = arith.constant 0 : index
    %get3A_8 = arith.constant 0 : index
    %get3A_9 = vector.load %arg2[%get3A_7, %get3A_8] : memref<1000x128xf32, #tpu.memory_space<vmem>>, vector<1000x128xf32>
    %get3A_10 = arith.constant 0 : index
    %get3A_11 = arith.constant 0 : index
    %get3A_12 = vector.load %arg3[%get3A_10, %get3A_11] : memref<1000x128xf32, #tpu.memory_space<vmem>>, vector<1000x128xf32>
    %add3A = arith.addf %get3A_9, %get3A_12 : vector<1000x128xf32>
    %mul3A = vector.broadcast %div3A_6 : vector<1000x1xf32> to vector<1000x128xf32>
    %mul3A_13 = arith.mulf %add3A, %mul3A : vector<1000x128xf32>
    %get3A_14 = arith.constant 0 : index
    %get3A_15 = arith.constant 0 : index
    %get3A_16 = vector.load %arg1[%get3A_14, %get3A_15] : memref<1000x128xf32, #tpu.memory_space<vmem>>, vector<1000x128xf32>
    %get3A_17 = arith.constant 0 : index
    %get3A_18 = arith.constant 0 : index
    %get3A_19 = vector.load %arg5[%get3A_17, %get3A_18] : memref<128x128xf32, #tpu.memory_space<vmem>>, vector<128x128xf32>
    %dot_general3A = arith.constant dense<0.000000e+00> : vector<1000x128xf32>
    %dot_general3A_20 = tpu.matmul %get3A_16, %get3A_19, %dot_general3A {dimension_numbers = #tpu.dot_dimension_numbers<[1], [0], [0], [1], [0, 0, 1, 1], [], []>, transpose_lhs_hint = false} : vector<1000x128xf32>, vector<128x128xf32>, vector<1000x128xf32> -> vector<1000x128xf32>
    %get3A_21 = arith.constant 0 : index
    %get3A_22 = arith.constant 0 : index
    %get3A_23 = vector.load %arg6[%get3A_21, %get3A_22] : memref<128x128xf32, #tpu.memory_space<vmem>>, vector<128x128xf32>
    %dot_general3A_24 = arith.constant dense<0.000000e+00> : vector<1000x128xf32>
    %dot_general3A_25 = tpu.matmul %mul3A_13, %get3A_23, %dot_general3A_24 {dimension_numbers = #tpu.dot_dimension_numbers<[1], [0], [0], [1], [0, 0, 1, 1], [], []>, transpose_lhs_hint = false} : vector<1000x128xf32>, vector<128x128xf32>, vector<1000x128xf32> -> vector<1000x128xf32>
    %add3A_26 = arith.addf %dot_general3A_20, %dot_general3A_25 : vector<1000x128xf32>
    %get3A_27 = arith.constant 0 : index
    %get3A_28 = arith.constant 0 : index
    %get3A_29 = vector.load %arg7[%get3A_27, %get3A_28] : memref<1x128xf32, #tpu.memory_space<vmem>>, vector<1x128xf32>
    %add3A_30 = vector.broadcast %get3A_29 : vector<1x128xf32> to vector<1000x128xf32>
    %add3A_31 = arith.addf %add3A_26, %add3A_30 : vector<1000x128xf32>
    %swap3A = arith.constant 0 : index
    %swap3A_32 = arith.constant 0 : index
    %swap3A_33 = vector.load %arg8[%swap3A, %swap3A_32] : memref<1000x128xf32, #tpu.memory_space<vmem>>, vector<1000x128xf32>
    tpu.vector_store %arg8[%swap3A, %swap3A_32], %add3A_31 {strides = array<i32>} : memref<1000x128xf32, #tpu.memory_space<vmem>>, vector<1000x128xf32>,
    return
  }
  func.func @transform_0(%arg0: i32) -> (i32, i32) {
    %c0_i32 = arith.constant 0 : i32
    %c0_i32_0 = arith.constant 0 : i32
    return %arg0, %c0_i32 : i32, i32
  }
  func.func @transform_1(%arg0: i32) -> (i32, i32) {
    %c0_i32 = arith.constant 0 : i32
    %c0_i32_0 = arith.constant 0 : i32
    return %arg0, %c0_i32 : i32, i32
  }
  func.func @transform_2(%arg0: i32) -> (i32, i32) {
    %c0_i32 = arith.constant 0 : i32
    %c0_i32_0 = arith.constant 0 : i32
    return %arg0, %c0_i32 : i32, i32
  }
  func.func @transform_3(%arg0: i32) -> (i32, i32) {
    %c0_i32 = arith.constant 0 : i32
    %c0_i32_0 = arith.constant 0 : i32
    return %arg0, %c0_i32 : i32, i32
  }
  func.func @transform_4(%arg0: i32) -> (i32, i32) {
    %c0_i32 = arith.constant 0 : i32
    %c0_i32_0 = arith.constant 0 : i32
    %c0_i32_1 = arith.constant 0 : i32
    return %c0_i32, %c0_i32_0 : i32, i32
  }
  func.func @transform_5(%arg0: i32) -> (i32, i32) {
    %c0_i32 = arith.constant 0 : i32
    %c0_i32_0 = arith.constant 0 : i32
    %c0_i32_1 = arith.constant 0 : i32
    return %c0_i32, %c0_i32_0 : i32, i32
  }
  func.func @transform_6(%arg0: i32) -> (i32, i32) {
    %c0_i32 = arith.constant 0 : i32
    %c0_i32_0 = arith.constant 0 : i32
    %c0_i32_1 = arith.constant 0 : i32
    return %c0_i32, %c0_i32_0 : i32, i32
  }
  func.func @transform_7(%arg0: i32) -> (i32, i32) {
    %c0_i32 = arith.constant 0 : i32
    %c0_i32_0 = arith.constant 0 : i32
    return %arg0, %c0_i32 : i32, i32
  }
}

</mosaic_0001>

<sc_bundles>
// kernel: kernel.11.cloned.1.call-start
scs
__scs_entry_jumppad:
0x0: {  	(pc) =	sbr.rel $0x88, $3  }
0x1: {  	(tag) =	ssettag $0x0;
	lr =	simm.s32 $0x1  }
0x2: {  	[smem:$0x3F94] =	sst lr;
	_ =	strace $0xD0000000  }
0x3: {  	_ = 	snop  }
0x4: {  	_ = 	snop  }
0x5: {  	_ = 	snop  }
0x6: {  	_ = 	snop  }
0x7: {  	_ = 	snop  }
__scs_overlays_trampoline_lowered:
0x8: {  	[smem:$0x3FA3] =	sst s0  }
0x9: {  	[smem:$0x3FA4] =	sst s1  }
0xa: {  	[smem:$0x3FA5] =	sst s2  }
0xb: {  	[smem:$0x3FA6] =	sst s3  }
0xc: {  	[smem:$0x3FA7] =	sst s4  }
0xd: {  	[smem:$0x3FA8] =	sst s5  }
0xe: {  	[smem:$0x3FA9] =	sst s6  }
0xf: {  	[smem:$0x3FAA] =	sst s7  }
0x10: {  	[smem:$0x3FAB] =	sst s8  }
0x11: {  	[smem:$0x3FAC] =	sst s9;
	s0 =	simm.s32 @!p0 $0x0  }
0x12: {  	s1 =	sld [smem:$0x3F92];
	s0 =	simm.s32 @p0 $0x1  }
0x13: {  	[smem:$0x3FAD] =	sst s0;
	s0 =	simm.s32 @!p1 $0x0  }
0x14: {  	s2 =	sld [smem:$0x3F91];
	s0 =	simm.s32 @p1 $0x1  }
0x15: {  	[smem:$0x3FAE] =	sst s0;
	s0 =	simm.s32 @!p2 $0x0  }
0x16: {  	s3 =	sld [smem:$0x3FDB];
	s0 =	simm.s32 @p2 $0x1  }
0x17: {  	s4 =	simm.s32 $0x1BF5;
	[smem:$0x3FB0] =	sst s0  }
0x18: {  	s0 =	sld [smem:$0x3F93];
	_ =	swait.ge [sflag:s4], $0x0  }
0x19: {  	s7 =	sld [smem:$0x3F94]  }
0x1a: {  	s8 =	sadd.s32 $0xFFFFE003, lr  }
0x1b: {  	s9 =	sadd.s32 $0xFFFFFEF7, lr;
	s5 =	simm.s32 $0xFFFFFFFF;
	p2 =	slt.u32 s8, $0xFFFFF086  }
0x1c: {  	p1 =	slt.u32 s9, $0xF7A;
	s5 =	simm.s32 @!p2 $0x0  }
0x1d: {  	s5 =	simm.s32 @p1 $0x1;
	p0 =	seq.s32 s7, s2  }
0x1e: {  	s7 =	smul.u32 @!p0 $0xF7A, s2;
	p2 =	seq.s32 @!p0 s5, $0x0  }
0x1f: {  	s9 =	smul.u32 $0xF7A, s1;
	s8 =	simm.s32 @!p0 $0x1BF5;
	p2 =	por !p2, p0  }
0x20: {  	[sflag:s8] =	ssyncset.s32 @!p0 $0xFFFFF086;
	s6 =	sadd.s32 @!p0 s3, s7;
	s7 =	simm.s32 @!p0 $0x108  }
0x21: {  	s3 =	sadd.s32 s3, s9;
	s6 =	sadd.s32 @!p0 $0x88, s6;
	s7 =	simm.s32 @p2 $0x1082  }
0x22: {  	[simem:s7], [sflag:s8] =	dma.local @!p0 [hbm:s6], $0xF7A  }
0x23: {  	s9 =	sor.u32 $0xD0000000, s2;
	s6 =	simm.s32 $0x108;
	_ =	swait.ge @!p0 [sflag:s8], $0x0  }
0x24: {  	s3 =	sadd.s32 $0x88, s3;
	s6 =	simm.s32 @!p1 $0x1082;
	[sflag:s4] =	ssyncset.s32 $0xFFFFF086  }
0x25: {  	[simem:s6], [sflag:s4] =	dma.local [hbm:s3], $0xF7A  }
0x26: {  	[smem:$0x3F94] =	sst s1;
	(tag) =	ssettag s2;
	_ =	strace s9  }
0x27: {  	s1 =	sld [smem:$0x3FA4]  }
0x28: {  	s2 =	sld [smem:$0x3FA5]  }
0x29: {  	s4 =	sld [smem:$0x3FA7]  }
0x2a: {  	p0 =	seq.s32 s5, $0x0;
	s5 =	sld [smem:$0x3FA8]  }
0x2b: {  	s6 =	sld [smem:$0x3FA9]  }
0x2c: {  	s7 =	sld [smem:$0x3FAA]  }
0x2d: {  	s3 =	simm.s32 $0x108;
	s8 =	sld [smem:$0x3FAB]  }
0x2e: {  	s3 =	simm.s32 @!p0 $0x1082;
	s9 =	sld [smem:$0x3FAC]  }
0x2f: {  	lr =	sadd.s32 s0, s3;
	s0 =	sld [smem:$0x3FA3]  }
0x30: {  	s3 =	sld [smem:$0x3FA6]  }
0x31: {  	[smem:$0x3FAF] =	sst s10  }
0x32: {  	s10 =	sld [smem:$0x3FAD];
	_ =	sdelay $0x3  }
0x33: {  	p0 =	seq.s32 s10, $0x1;
	s10 =	sld [smem:$0x3FAF];
	_ =	sdelay $0x3  }
0x34: {  	[smem:$0x3FAF] =	sst s10  }
0x35: {  	s10 =	sld [smem:$0x3FAE];
	_ =	sdelay $0x3  }
0x36: {  	p1 =	seq.s32 s10, $0x1;
	s10 =	sld [smem:$0x3FAF];
	_ =	sdelay $0x3  }
0x37: {  	[smem:$0x3FAF] =	sst s10  }
0x38: {  	s10 =	sld [smem:$0x3FB0]  }
0x39: {  	_ = 	snop;
	(pc) =	sbr.ind lr, $3  }
0x3a: {  	_ = 	snop  }
0x3b: {  	_ = 	snop  }
0x3c: {  	p2 =	seq.s32 s10, $0x1;
	s10 =	sld [smem:$0x3FAF]  }
0x3d: {  	_ =	shalt  }
0x3e: {  	_ =	shalt  }
0x3f: {  	_ =	shalt  }
0x40: {  	_ =	shalt  }
0x41: {  	_ =	shalt  }
0x42: {  	_ =	shalt  }
0x43: {  	_ =	shalt  }
0x44: {  	_ =	shalt  }
0x45: {  	_ =	shalt  }
0x46: {  	_ =	shalt  }
0x47: {  	_ =	shalt  }
0x48: {  	_ =	shalt  }
0x49: {  	_ =	shalt  }
0x4a: {  	_ =	shalt  }
0x4b: {  	_ =	shalt  }
0x4c: {  	_ =	shalt  }
0x4d: {  	_ =	shalt  }
0x4e: {  	_ =	shalt  }
0x4f: {  	_ =	shalt  }
0x50: {  	_ =	shalt  }
0x51: {  	_ =	shalt  }
0x52: {  	_ =	shalt  }
0x53: {  	_ =	shalt  }
0x54: {  	_ =	shalt  }
0x55: {  	_ =	shalt  }
0x56: {  	_ =	shalt  }
0x57: {  	_ =	shalt  }
0x58: {  	_ =	shalt  }
0x59: {  	_ =	shalt  }
0x5a: {  	_ =	shalt  }
0x5b: {  	_ =	shalt  }
0x5c: {  	_ =	shalt  }
0x5d: {  	_ =	shalt  }
0x5e: {  	_ =	shalt  }
0x5f: {  	_ =	shalt  }
0x60: {  	_ =	shalt  }
0x61: {  	_ =	shalt  }
0x62: {  	_ =	shalt  }
0x63: {  	_ =	shalt  }
0x64: {  	_ =	shalt  }
0x65: {  	_ =	shalt  }
0x66: {  	_ =	shalt  }
0x67: {  	_ =	shalt  }
0x68: {  	_ =	shalt  }
0x69: {  	_ =	shalt  }
0x6a: {  	_ =	shalt  }
0x6b: {  	_ =	shalt  }
0x6c: {  	_ =	shalt  }
0x6d: {  	_ =	shalt  }
0x6e: {  	_ =	shalt  }
0x6f: {  	_ =	shalt  }
0x70: {  	_ =	shalt  }
0x71: {  	_ =	shalt  }
0x72: {  	_ =	shalt  }
0x73: {  	_ =	shalt  }
0x74: {  	_ =	shalt  }
0x75: {  	_ =	shalt  }
0x76: {  	_ =	shalt  }
0x77: {  	_ =	shalt  }
0x78: {  	_ =	shalt  }
0x79: {  	_ =	shalt  }
0x7a: {  	_ =	shalt  }
0x7b: {  	_ =	shalt  }
0x7c: {  	_ =	shalt  }
0x7d: {  	_ =	shalt  }
0x7e: {  	_ =	shalt  }
0x7f: {  	_ =	shalt  }
0x80: {  	_ =	shalt  }
0x81: {  	_ =	shalt  }
0x82: {  	_ =	shalt  }
0x83: {  	_ =	shalt  }
0x84: {  	_ =	shalt  }
0x85: {  	_ =	shalt  }
0x86: {  	_ =	shalt  }
0x87: {  	_ =	shalt  }
.Lfunc_end0:
.L_simem_size_0:
called_computation.1_lowered:
.L_overlay_start_0:
0x88: {  	s2 =	sld [smem:$0x3FD9]  }
0x89: {  	s3 =	sld [smem:$0x3FFE];
	_ =	sdelay $0x1  }
0x8a: {  	s1 =	srdreg.scid  }
0x8b: {  	s0 =	sand.u32 $0x1, s1  }
0x8c: {  	s16 =	sshll.u32 s0, $0xA;
	s2 =	sadd.s32 s3, s2  }
0x8d: {  	s2 =	sadd.s32 s2, s16  }
0x8e: {  	[smem:$0x3FBB] =	sst s2  }
0x8f: {  	_ = 	snop  }
0x90: {  	(tm) =	ssettm $0x1  }
0x91: {  	s17 =	sld [smem:$0x3FFB];
	_ =	sdelay $0x3  }
0x92: {  	_ =	strace s17  }
0x93: {  	s2 =	sld [smem:$0x3FFC];
	_ =	sdelay $0x3  }
0x94: {  	_ =	strace s2  }
0x95: {  	s2 =	sld [smem:$0x3FFD];
	_ =	sdelay $0x3  }
0x96: {  	_ =	strace s2  }
0x97: {  	_ =	strace $0x8FFFFFFF  }
0x98: {  	s18 =	sld [smem:$0x3FDB];
	_ =	sdelay $0x1  }
0x99: {  	s19 =	simm.s32 $_scs_section_size  }
0x9a: {  	s4 =	simm.s32 $_size__tile_overlayer_lowered;
	s5 =	simm.s32 $_tile_overlayer_lowered  }
0x9b: {  	s22 =	simm.s32 $0x1BFF;
	s21 =	sshll.u32 s5, $0x1;
	s2 =	sadd.s32 s19, s18  }
0x9c: {  	s6 =	simm.s32 $0x0;
	s20 =	sshll.u32 s4, $0x1;
	s4 =	sadd.s32 s21, s2  }
0x9d: {  	[timem:s6], [sflag:s22] =	dma.local [hbm:s4], s20  }
0x9e: {  	_ =	swait.ge [sflag:s22], s20  }
0x9f: {  	s3 =	ssub.s32 $0x0, s20;
	[sflag:s22] =	ssyncset.done $0x0  }
0xa0: {  	[sflag:s22] =	ssyncadd.s32 s3;
	_ =	sdelay $0x1  }
0xa1: {  	s23 =	simm.s32 $0x1B8B  }
0xa2: {  	_ =	swait.ge [sflag:s23], $0x1  }
0xa3: {  	[sflag:s23] =	ssyncset.done $0x0  }
0xa4: {  	s25 =	simm.s32 $0x1B8E;
	s24 =	sld [smem:$0x3FFE];
	[sflag:s23] =	ssyncadd.s32 $0xFFFFFFFF  }
0xa5: {  	s26 =	simm.s32 $execute0_lowered;
	[smem:$0x3FD2] =	sst s25  }
0xa6: {  	s4 =	sshll.u32 s26, $0x1;
	_ =	strace $0x80000049;
	[dreg:$0x1] =	wrdreg $0xFFFFFFFF  }
0xa7: {  	s28 =	simm.s32 $_size_execute0_lowered;
	s2 =	sadd.s32 s2, s4;
	[dreg:$0x0] =	wrdreg $0x0  }
0xa8: {  	s4 =	sshll.u32 s28, $0x1;
	[dreg:$0x2] =	wrdreg s2  }
0xa9: {  	[dreg:$0x3] =	wrdreg s4  }
0xaa: {  	[dreg:$0x4] =	wrdreg $0xC0  }
0xab: {  	_ =	task [dreg:s6], $0x5FFFF  }
0xac: {  	[dreg:$0x1] =	wrdreg $0xFFFFFFFF  }
0xad: {  	[dreg:$0x0] =	wrdreg $0x60  }
0xae: {  	[dreg:$0x2] =	wrdreg s24  }
0xaf: {  	[dreg:$0x3] =	wrdreg $0xB8000  }
0xb0: {  	[dreg:$0x4] =	wrdreg $0x9  }
0xb1: {  	_ =	task.clear_ibuf [dreg:s6], $0x5FFFF;
	_ =	strace $0x90000049  }
0xb2: {  	s29 =	simm.s32 $0x9;
	_ =	strace $0x8000004B  }
0xb3: {  	_ =	swait.ge [sflag:s29], $0x1  }
0xb4: {  	[sflag:s29] =	ssyncadd.s32 $0xFFFFFFFF  }
0xb5: {  	_ =	strace $0x9000004B  }
0xb6: {  	_ =	sfence  }
0xb7: {  	s30 =	sld [smem:$0x0];
	_ =	sdelay $0x2  }
0xb8: {  	s31 =	sshll.u32 s1, $0xD;
	s1 =	sshrl.u32 s1, $0x2  }
0xb9: {  	s3 =	sand.u32 $0x4000, s31;
	s1 =	sadd.s32 s1, s30  }
0xba: {  	s0 =	sor.u32 s3, s0;
	s1 =	sshll.u32 s1, $0x11  }
0xbb: {  	s0 =	sor.u32 s1, s0  }
0xbc: {  	s0 =	sadd.s32 $0x8F2B, s0  }
0xbd: {  	[sflag:s0] =	ssyncadd.remote.s32 $0x1  }
0xbe: {  	_ =	sfence.sel $0xFFFF  }
0xbf: {  	[dreg:$0x0] =	wrdreg $0xFFFFFFFF;
	(pc) =	sbr.abs _section_cstart, $3  }
0xc0: {  	[dreg:$0x1] =	wrdreg $0xFFFFFFFF  }
0xc1: {  	_ =	task.clear_ibuf [dreg:s6], $0x2FFFF;
	_ =	strace $0x9FFFFFFF  }
0xc2: {  	(tm) =	ssettm $0x7FFFFFFF  }
0xc3: {  	_ =	shalt  }
tec
execute0_lowered:
.L_overlay_start_1:
0x0: {  	(tag) =	ssettag $0x1  }
0x1: {  	s6 =	rddreg [dreg:$0x0]  }
0x2: {  	s1 =	rddreg [dreg:$0x1]  }
0x3: {  	s0 =	rddreg [dreg:$0x2]  }
0x4: {  	s3 =	simm.s32 $0x0;
	s2 =	srdreg.scid;
	s16 =	simm.s32 $0x80  }
0x5: {  	s17 =	simm.s32 $0x5000;
	s18 =	simm.s32 $0x9000;
	s19 =	simm.s32 $0x1  }
0x6: {  	s20 =	simm.s32 $0x0;
	[smem:$0x7FF] =	sst s3;
	s7 =	sand.u32 $0x1, s2  }
0x7: {  	s2 =	stileid.u32;
	s4 =	sadd.s32 $0x10200, s6;
	s8 =	smul.u32 $0x140000, s7  }
0x8: {  	s5 =	sadd.s32 $0xDA00, s6;
	_ =	strace $0x8000004A;
	s9 =	smul.u32 $0x14000, s2  }
0x9: {  	s10 =	sshll.u32 s2, $0x1;
	s11 =	smul.u32 $0x50000, s2;
	s31 =	sshll.u32 s2, $0x6  }
0xa: {  	s10 =	sor.u32 s7, s10;
	s7 =	ssub.s32 $0x2, s7;
	s8 =	sadd.s32 s9, s8  }
0xb: {  	s28 =	smul.u32 $0x500, s10;
	s29 =	sshrl.u32 s7, $0x1;
	s30 =	sshrl.u32 s11, $0x2  }
0xc: {  	s8 =	sshrl.u32 s8, $0x3;
	s14 =	ssub.s32 s7, s29;
	s15 =	sadd.s32 s30, s1  }
0xd: {  	s12 =	sadd.s32 s8, s6;
	s13 =	sadd.s32 s28, s6;
	s8 =	sor.u32 $0x1C03, s31  }
0xe: {  	s11 =	smax.u32 s14, $0x1;
	s14 =	simm.s32 $0x3;
	s6 =	sadd.s32 $0x6A200, s13  }
0xf: {  	s7 =	sadd.s32 $0x74200, s13;
	s9 =	sadd.s32 $0x7E200, s12;
	s10 =	sadd.s32 $0x3A00, s13  }
0x10: {  	v0 =	vimm.f32 $0.0e+00;
	v1 =	vimm.f32 $1.000000000e+00;
	s12 =	simm.s32 $0x2800;
	s13 =	sshrl.u32 s15, $0x3;
	s15 =	simm.s32 $0x2  }
.LBB2_1:
0x11: {  	[tilespmem:s3], [sflag:$0x2] =	stream.linear.gather [hbm4b:s6+s3], $0x2780, $0x38;
	[tilespmem:$0x1F800] =	vst v63  }
0x12: {  	_ = 	snop  }
0x13: {  	[tilespmem:s12], [sflag:$0x2] =	stream.linear.gather [hbm4b:s7+s3], $0x2780, $0x38;
	[tilespmem:$0x1F800] =	vst v63  }
0x14: {  	[spmem:s13], [sflag:s8] =	dma.local [hbm:s5], $0x2800  }
0x15: {  	_ =	swait.ge [sflag:s14], $0x2800  }
0x16: {  	[sflag:s14] =	ssyncset.done $0x0  }
0x17: {  	s21 =	simm.s32 $0x40;
	s22 =	simm.s32 $0x0;
	[sflag:s14] =	ssyncadd.s32 $0xFFFFD800  }
.LBB2_2:
0x18: {  	p0 =	sne.s32 s21, $0x9FC0;
	[tilespmem:s22+$0x9000] =	vst v0;
	s22 =	smov.u32 s21;
	s21 =	sadd.s32 $0x40, s21  }
.Ltmp0:
0x19: {  	(pc) =	sbr.rel @p0 .LBB2_2-.Ltmp0, $2  }
0x1a: {  	_ =	sdelay $0x2  }
0x1b: {  	s22 =	sshra.s32 s22, $0x2  }
0x1c: {  	[tilespmem:s22+$0x9000] =	vst v0  }
0x1d: {  	_ =	swait.ge [sflag:s15], $0x2780  }
0x1e: {  	[sflag:s15] =	ssyncset.done $0x0  }
0x1f: {  	[sflag:s15] =	ssyncadd.s32 $0xFFFFD880  }
0x20: {  	_ =	swait.ge [sflag:s15], $0x2780  }
0x21: {  	[sflag:s15] =	ssyncset.done $0x0  }
0x22: {  	[sflag:s15] =	ssyncadd.s32 $0xFFFFD880  }
0x23: {  	s21 =	simm.s32 $0x0;
	[bflag:$0x0] =	sbarrier.arrive $0xFFFF  }
.LBB2_4:
0x24: {  	s22 =	sshra.s32 s21, $0x2  }
0x25: {  	[tilespmem:s17], [sflag:$0x1] =	stream.indirect.gather [hbm4b:s4+s16], $0x80, s22, s16, $0xb8;
	[tilespmem:$0x1F800] =	vst v63  }
0x26: {  	v2 =	vld [tilespmem:s22+$0x2800];
	_ =	sdelay $0x7  }
0x27: {  	[tilespmem:v2+s18+$0x0] =	vst.idx.add.f32.msk $0xffff, v1  }
0x28: {  	v2 =	vld [tilespmem:s22+$0x2810];
	_ =	sdelay $0x7  }
0x29: {  	[tilespmem:v2+s18+$0x0] =	vst.idx.add.f32.msk $0xffff, v1  }
0x2a: {  	v2 =	vld [tilespmem:s22+$0x2820];
	_ =	sdelay $0x7  }
0x2b: {  	[tilespmem:v2+s18+$0x0] =	vst.idx.add.f32.msk $0xffff, v1  }
0x2c: {  	v2 =	vld [tilespmem:s22+$0x2830];
	_ =	sdelay $0x7  }
0x2d: {  	[tilespmem:v2+s18+$0x0] =	vst.idx.add.f32.msk $0xffff, v1  }
0x2e: {  	v2 =	vld [tilespmem:s22+$0x2840];
	_ =	sdelay $0x7  }
0x2f: {  	[tilespmem:v2+s18+$0x0] =	vst.idx.add.f32.msk $0xffff, v1  }
0x30: {  	v2 =	vld [tilespmem:s22+$0x2850];
	_ =	sdelay $0x7  }
0x31: {  	[tilespmem:v2+s18+$0x0] =	vst.idx.add.f32.msk $0xffff, v1  }
0x32: {  	v2 =	vld [tilespmem:s22+$0x2860];
	_ =	sdelay $0x7  }
0x33: {  	[tilespmem:v2+s18+$0x0] =	vst.idx.add.f32.msk $0xffff, v1  }
0x34: {  	v2 =	vld [tilespmem:s22+$0x2870];
	_ =	sdelay $0x7  }
0x35: {  	[tilespmem:v2+s18+$0x0] =	vst.idx.add.f32.msk $0xffff, v1  }
0x36: {  	_ =	swait.ge [sflag:s19], $0x4000  }
0x37: {  	p0 =	sne.s32 s21, $0x9C00;
	[sflag:s19] =	ssyncset.done $0x0  }
.Ltmp1:
0x38: {  	s22 =	sadd.s32 $0x2800, s22;
	[sflag:s19] =	ssyncadd.s32 $0xFFFFC000;
	(pc) =	sbr.rel @p0 .LBB2_4-.Ltmp1, $4  }
0x39: {  	[spmem:s1] =	stream.indirect.scatter.add.f32 [tilespmem:s17], [sflag:$0x3], $0x80, s22, s16, $0xb8;
	[tilespmem:$0x1F800] =	vst v63  }
0x3a: {  	_ =	swait.ge [sflag:s14], $0x4000  }
0x3b: {  	[sflag:s14] =	ssyncset.done $0x0  }
0x3c: {  	s21 =	sadd.s32 $0x200, s21;
	[sflag:s14] =	ssyncadd.s32 $0xFFFFC000  }
0x3d: {  	[bflag:$0x0] =	sbarrier.arrive $0xFFFF  }
0x3e: {  	[hbm:s9], [sflag:s8] =	dma.local [spmem:s13], $0x2800  }
0x3f: {  	s20 =	sadd.s32 $0x1, s20;
	_ =	swait.ge [sflag:s14], $0x2800  }
0x40: {  	p0 =	sne.s32 s20, s11;
	[sflag:s14] =	ssyncset.done $0x0  }
.Ltmp2:
0x41: {  	[sflag:s14] =	ssyncadd.s32 $0xFFFFD800;
	(pc) =	sbr.rel @p0 .LBB2_1-.Ltmp2, $4  }
0x42: {  	[hbm4b:s10+s3] =	stream.linear.scatter [tilespmem:s18], [sflag:$0x3], $0x2800, $0x38;
	[tilespmem:$0x1F800] =	vst v63  }
0x43: {  	_ =	swait.ge [sflag:s14], $0x2800  }
0x44: {  	[sflag:s14] =	ssyncset.done $0x0  }
0x45: {  	[sflag:s14] =	ssyncadd.s32 $0xFFFFD800  }
0x46: {  	_ =	sfence.sel $0x180000  }
0x47: {  	[bflag:$0x0] =	sbarrier.arrive $0xFFFF  }
0x48: {  	p0 =	sne.s32 s2, $0x0;
	_ =	strace $0x9000004A  }
0x49: {  	s0 =	sadd.s32 @!p0 $0x100000, s0;
	[bflag:$0x2] =	sbarrier.arrive $0xFFFF  }
0x4a: {  	[sflag:s0] =	ssyncadd.tile.s32 @!p0 $0x1;
	_ =	shalt  }
.Lfunc_end2:
_tile_overlayer_lowered:
.L_overlay_start_2:
0x4b: {  	(tag) =	ssettag $0x2  }
0x4c: {  	s0 =	rddreg [dreg:$0x0];
	s2 =	stileid.u32  }
0x4d: {  	s1 =	rddreg [dreg:$0x1];
	p0 =	sne.s32 s2, $0x0  }
0x4e: {  	s3 =	rddreg [dreg:$0x2];
	[bflag:$0x3] =	sbarrier.arrive $0xFFFF;
	s2 =	simm.s32 @!p0 $0x1C03  }
0x4f: {  	[timem:s3], [sflag:s2] =	dma.local @!p0 [hbm:s0], s1  }
0x50: {  	s0 =	simm.s32 @!p0 $0x3  }
0x51: {  	_ =	swait.ge @!p0 [sflag:s0], s1  }
0x52: {  	s1 =	ssub.s32 @!p0 $0x0, s1;
	[sflag:s0] =	ssyncset.done @!p0 $0x0  }
0x53: {  	[sflag:s0] =	ssyncadd.s32 @!p0 s1  }
0x54: {  	[bflag:$0x3] =	sbarrier.arrive $0xFFFF  }
0x55: {  	_ =	shalt  }

// kernel: kernel.14.cloned.1.call-start
scs
__scs_entry_jumppad:
0x0: {  	(pc) =	sbr.rel $0x88, $3  }
0x1: {  	(tag) =	ssettag $0x0;
	lr =	simm.s32 $0x1  }
0x2: {  	[smem:$0x3F94] =	sst lr;
	_ =	strace $0xD0000000  }
0x3: {  	_ = 	snop  }
0x4: {  	_ = 	snop  }
0x5: {  	_ = 	snop  }
0x6: {  	_ = 	snop  }
0x7: {  	_ = 	snop  }
__scs_overlays_trampoline_lowered:
0x8: {  	[smem:$0x3FA3] =	sst s0  }
0x9: {  	[smem:$0x3FA4] =	sst s1  }
0xa: {  	[smem:$0x3FA5] =	sst s2  }
0xb: {  	[smem:$0x3FA6] =	sst s3  }
0xc: {  	[smem:$0x3FA7] =	sst s4  }
0xd: {  	[smem:$0x3FA8] =	sst s5  }
0xe: {  	[smem:$0x3FA9] =	sst s6  }
0xf: {  	[smem:$0x3FAA] =	sst s7  }
0x10: {  	[smem:$0x3FAB] =	sst s8  }
0x11: {  	[smem:$0x3FAC] =	sst s9;
	s0 =	simm.s32 @!p0 $0x0  }
0x12: {  	s1 =	sld [smem:$0x3F92];
	s0 =	simm.s32 @p0 $0x1  }
0x13: {  	[smem:$0x3FAD] =	sst s0;
	s0 =	simm.s32 @!p1 $0x0  }
0x14: {  	s2 =	sld [smem:$0x3F91];
	s0 =	simm.s32 @p1 $0x1  }
0x15: {  	[smem:$0x3FAE] =	sst s0;
	s0 =	simm.s32 @!p2 $0x0  }
0x16: {  	s3 =	sld [smem:$0x3FDB];
	s0 =	simm.s32 @p2 $0x1  }
0x17: {  	s4 =	simm.s32 $0x1BF5;
	[smem:$0x3FB0] =	sst s0  }
0x18: {  	s0 =	sld [smem:$0x3F93];
	_ =	swait.ge [sflag:s4], $0x0  }
0x19: {  	s7 =	sld [smem:$0x3F94]  }
0x1a: {  	s8 =	sadd.s32 $0xFFFFE003, lr  }
0x1b: {  	s9 =	sadd.s32 $0xFFFFFEF7, lr;
	s5 =	simm.s32 $0xFFFFFFFF;
	p2 =	slt.u32 s8, $0xFFFFF086  }
0x1c: {  	p1 =	slt.u32 s9, $0xF7A;
	s5 =	simm.s32 @!p2 $0x0  }
0x1d: {  	s5 =	simm.s32 @p1 $0x1;
	p0 =	seq.s32 s7, s2  }
0x1e: {  	s7 =	smul.u32 @!p0 $0xF7A, s2;
	p2 =	seq.s32 @!p0 s5, $0x0  }
0x1f: {  	s9 =	smul.u32 $0xF7A, s1;
	s8 =	simm.s32 @!p0 $0x1BF5;
	p2 =	por !p2, p0  }
0x20: {  	[sflag:s8] =	ssyncset.s32 @!p0 $0xFFFFF086;
	s6 =	sadd.s32 @!p0 s3, s7;
	s7 =	simm.s32 @!p0 $0x108  }
0x21: {  	s3 =	sadd.s32 s3, s9;
	s6 =	sadd.s32 @!p0 $0x88, s6;
	s7 =	simm.s32 @p2 $0x1082  }
0x22: {  	[simem:s7], [sflag:s8] =	dma.local @!p0 [hbm:s6], $0xF7A  }
0x23: {  	s9 =	sor.u32 $0xD0000000, s2;
	s6 =	simm.s32 $0x108;
	_ =	swait.ge @!p0 [sflag:s8], $0x0  }
0x24: {  	s3 =	sadd.s32 $0x88, s3;
	s6 =	simm.s32 @!p1 $0x1082;
	[sflag:s4] =	ssyncset.s32 $0xFFFFF086  }
0x25: {  	[simem:s6], [sflag:s4] =	dma.local [hbm:s3], $0xF7A  }
0x26: {  	[smem:$0x3F94] =	sst s1;
	(tag) =	ssettag s2;
	_ =	strace s9  }
0x27: {  	s1 =	sld [smem:$0x3FA4]  }
0x28: {  	s2 =	sld [smem:$0x3FA5]  }
0x29: {  	s4 =	sld [smem:$0x3FA7]  }
0x2a: {  	p0 =	seq.s32 s5, $0x0;
	s5 =	sld [smem:$0x3FA8]  }
0x2b: {  	s6 =	sld [smem:$0x3FA9]  }
0x2c: {  	s7 =	sld [smem:$0x3FAA]  }
0x2d: {  	s3 =	simm.s32 $0x108;
	s8 =	sld [smem:$0x3FAB]  }
0x2e: {  	s3 =	simm.s32 @!p0 $0x1082;
	s9 =	sld [smem:$0x3FAC]  }
0x2f: {  	lr =	sadd.s32 s0, s3;
	s0 =	sld [smem:$0x3FA3]  }
0x30: {  	s3 =	sld [smem:$0x3FA6]  }
0x31: {  	[smem:$0x3FAF] =	sst s10  }
0x32: {  	s10 =	sld [smem:$0x3FAD];
	_ =	sdelay $0x3  }
0x33: {  	p0 =	seq.s32 s10, $0x1;
	s10 =	sld [smem:$0x3FAF];
	_ =	sdelay $0x3  }
0x34: {  	[smem:$0x3FAF] =	sst s10  }
0x35: {  	s10 =	sld [smem:$0x3FAE];
	_ =	sdelay $0x3  }
0x36: {  	p1 =	seq.s32 s10, $0x1;
	s10 =	sld [smem:$0x3FAF];
	_ =	sdelay $0x3  }
0x37: {  	[smem:$0x3FAF] =	sst s10  }
0x38: {  	s10 =	sld [smem:$0x3FB0]  }
0x39: {  	_ = 	snop;
	(pc) =	sbr.ind lr, $3  }
0x3a: {  	_ = 	snop  }
0x3b: {  	_ = 	snop  }
0x3c: {  	p2 =	seq.s32 s10, $0x1;
	s10 =	sld [smem:$0x3FAF]  }
0x3d: {  	_ =	shalt  }
0x3e: {  	_ =	shalt  }
0x3f: {  	_ =	shalt  }
0x40: {  	_ =	shalt  }
0x41: {  	_ =	shalt  }
0x42: {  	_ =	shalt  }
0x43: {  	_ =	shalt  }
0x44: {  	_ =	shalt  }
0x45: {  	_ =	shalt  }
0x46: {  	_ =	shalt  }
0x47: {  	_ =	shalt  }
0x48: {  	_ =	shalt  }
0x49: {  	_ =	shalt  }
0x4a: {  	_ =	shalt  }
0x4b: {  	_ =	shalt  }
0x4c: {  	_ =	shalt  }
0x4d: {  	_ =	shalt  }
0x4e: {  	_ =	shalt  }
0x4f: {  	_ =	shalt  }
0x50: {  	_ =	shalt  }
0x51: {  	_ =	shalt  }
0x52: {  	_ =	shalt  }
0x53: {  	_ =	shalt  }
0x54: {  	_ =	shalt  }
0x55: {  	_ =	shalt  }
0x56: {  	_ =	shalt  }
0x57: {  	_ =	shalt  }
0x58: {  	_ =	shalt  }
0x59: {  	_ =	shalt  }
0x5a: {  	_ =	shalt  }
0x5b: {  	_ =	shalt  }
0x5c: {  	_ =	shalt  }
0x5d: {  	_ =	shalt  }
0x5e: {  	_ =	shalt  }
0x5f: {  	_ =	shalt  }
0x60: {  	_ =	shalt  }
0x61: {  	_ =	shalt  }
0x62: {  	_ =	shalt  }
0x63: {  	_ =	shalt  }
0x64: {  	_ =	shalt  }
0x65: {  	_ =	shalt  }
0x66: {  	_ =	shalt  }
0x67: {  	_ =	shalt  }
0x68: {  	_ =	shalt  }
0x69: {  	_ =	shalt  }
0x6a: {  	_ =	shalt  }
0x6b: {  	_ =	shalt  }
0x6c: {  	_ =	shalt  }
0x6d: {  	_ =	shalt  }
0x6e: {  	_ =	shalt  }
0x6f: {  	_ =	shalt  }
0x70: {  	_ =	shalt  }
0x71: {  	_ =	shalt  }
0x72: {  	_ =	shalt  }
0x73: {  	_ =	shalt  }
0x74: {  	_ =	shalt  }
0x75: {  	_ =	shalt  }
0x76: {  	_ =	shalt  }
0x77: {  	_ =	shalt  }
0x78: {  	_ =	shalt  }
0x79: {  	_ =	shalt  }
0x7a: {  	_ =	shalt  }
0x7b: {  	_ =	shalt  }
0x7c: {  	_ =	shalt  }
0x7d: {  	_ =	shalt  }
0x7e: {  	_ =	shalt  }
0x7f: {  	_ =	shalt  }
0x80: {  	_ =	shalt  }
0x81: {  	_ =	shalt  }
0x82: {  	_ =	shalt  }
0x83: {  	_ =	shalt  }
0x84: {  	_ =	shalt  }
0x85: {  	_ =	shalt  }
0x86: {  	_ =	shalt  }
0x87: {  	_ =	shalt  }
.Lfunc_end0:
.L_simem_size_0:
called_computation.2_lowered:
.L_overlay_start_0:
0x88: {  	s2 =	sld [smem:$0x3FD9]  }
0x89: {  	s3 =	sld [smem:$0x3FFE];
	_ =	sdelay $0x1  }
0x8a: {  	s1 =	srdreg.scid  }
0x8b: {  	s0 =	sand.u32 $0x1, s1  }
0x8c: {  	s17 =	sshll.u32 s0, $0xA;
	s2 =	sadd.s32 s3, s2  }
0x8d: {  	s2 =	sadd.s32 s2, s17  }
0x8e: {  	[smem:$0x3FBB] =	sst s2  }
0x8f: {  	_ = 	snop  }
0x90: {  	s2 =	sld [smem:$0x3FD0];
	(tm) =	ssettm $0x1  }
0x91: {  	s18 =	sld [smem:$0x3FFB];
	_ =	sdelay $0x3  }
0x92: {  	_ =	strace s18  }
0x93: {  	s3 =	sld [smem:$0x3FFC];
	_ =	sdelay $0x3  }
0x94: {  	_ =	strace s3  }
0x95: {  	s3 =	sld [smem:$0x3FFD];
	_ =	sdelay $0x3  }
0x96: {  	_ =	strace s3  }
0x97: {  	_ =	strace $0x8FFFFFFF  }
0x98: {  	s19 =	sld [smem:$0x3FDB];
	_ =	sdelay $0x1  }
0x99: {  	s4 =	simm.s32 $_scs_section_size  }
0x9a: {  	s5 =	simm.s32 $_size__tile_overlayer_lowered;
	s6 =	simm.s32 $_tile_overlayer_lowered  }
0x9b: {  	s22 =	simm.s32 $0x1BFF;
	s21 =	sshll.u32 s6, $0x1;
	s3 =	sadd.s32 s4, s19  }
0x9c: {  	s7 =	simm.s32 $0x0;
	s20 =	sshll.u32 s5, $0x1;
	s5 =	sadd.s32 s21, s3  }
0x9d: {  	[timem:s7], [sflag:s22] =	dma.local [hbm:s5], s20  }
0x9e: {  	_ =	swait.ge [sflag:s22], s20  }
0x9f: {  	s4 =	ssub.s32 $0x0, s20;
	[sflag:s22] =	ssyncset.done $0x0  }
0xa0: {  	[sflag:s22] =	ssyncadd.s32 s4;
	_ =	sdelay $0x1  }
0xa1: {  	s23 =	simm.s32 $0x1B8B  }
0xa2: {  	_ =	swait.ge [sflag:s23], $0x1  }
0xa3: {  	[sflag:s23] =	ssyncset.done $0x0  }
0xa4: {  	s25 =	simm.s32 $0x1B8E;
	s24 =	sld [smem:$0x3FFE];
	[sflag:s23] =	ssyncadd.s32 $0xFFFFFFFF  }
0xa5: {  	s26 =	simm.s32 $execute0_lowered;
	[smem:$0x3FD2] =	sst s25  }
0xa6: {  	s5 =	sshll.u32 s26, $0x1;
	_ =	strace $0x8000004C;
	[dreg:$0x1] =	wrdreg $0xFFFFFFFF  }
0xa7: {  	s28 =	simm.s32 $_size_execute0_lowered;
	s3 =	sadd.s32 s3, s5;
	[dreg:$0x0] =	wrdreg $0x0  }
0xa8: {  	s5 =	sshll.u32 s28, $0x1;
	[dreg:$0x2] =	wrdreg s3  }
0xa9: {  	[dreg:$0x3] =	wrdreg s5  }
0xaa: {  	[dreg:$0x4] =	wrdreg $0xC0  }
0xab: {  	_ =	task [dreg:s7], $0x5FFFF  }
0xac: {  	[dreg:$0x1] =	wrdreg $0xFFFFFFFF  }
0xad: {  	[dreg:$0x0] =	wrdreg $0x60  }
0xae: {  	[dreg:$0x2] =	wrdreg s2  }
0xaf: {  	[dreg:$0x3] =	wrdreg s24  }
0xb0: {  	[dreg:$0x4] =	wrdreg $0xB8000  }
0xb1: {  	[dreg:$0x5] =	wrdreg $0x9  }
0xb2: {  	_ =	task.clear_ibuf [dreg:s7], $0x6FFFF;
	_ =	strace $0x9000004C  }
0xb3: {  	s29 =	simm.s32 $0x9;
	_ =	strace $0x8000004E  }
0xb4: {  	_ =	swait.ge [sflag:s29], $0x1  }
0xb5: {  	[sflag:s29] =	ssyncadd.s32 $0xFFFFFFFF  }
0xb6: {  	_ =	strace $0x9000004E  }
0xb7: {  	_ =	sfence  }
0xb8: {  	s30 =	sld [smem:$0x0];
	_ =	sdelay $0x2  }
0xb9: {  	s31 =	sshll.u32 s1, $0xD;
	s1 =	sshrl.u32 s1, $0x2  }
0xba: {  	s3 =	sand.u32 $0x4000, s31;
	s1 =	sadd.s32 s1, s30  }
0xbb: {  	s0 =	sor.u32 s3, s0;
	s1 =	sshll.u32 s1, $0x11  }
0xbc: {  	s0 =	sor.u32 s1, s0  }
0xbd: {  	s0 =	sadd.s32 $0x8F2B, s0  }
0xbe: {  	[sflag:s0] =	ssyncadd.remote.s32 $0x1  }
0xbf: {  	_ =	sfence.sel $0xFFFF  }
0xc0: {  	[dreg:$0x0] =	wrdreg $0xFFFFFFFF;
	(pc) =	sbr.abs _section_cstart, $3  }
0xc1: {  	[dreg:$0x1] =	wrdreg $0xFFFFFFFF  }
0xc2: {  	_ =	task.clear_ibuf [dreg:s7], $0x2FFFF;
	_ =	strace $0x9FFFFFFF  }
0xc3: {  	(tm) =	ssettm $0x7FFFFFFF  }
tec
execute0_lowered:
.L_overlay_start_1:
0x0: {  	(tag) =	ssettag $0x1  }
0x1: {  	s6 =	rddreg [dreg:$0x0]  }
0x2: {  	s7 =	rddreg [dreg:$0x1]  }
0x3: {  	s1 =	rddreg [dreg:$0x2]  }
0x4: {  	s0 =	rddreg [dreg:$0x3]  }
0x5: {  	s3 =	simm.s32 $0x0;
	s2 =	srdreg.scid;
	s15 =	simm.s32 $0x2  }
0x6: {  	s16 =	simm.s32 $0x80;
	s17 =	simm.s32 $0x5000;
	s18 =	simm.s32 $0x9000  }
0x7: {  	s19 =	simm.s32 $0x1;
	[smem:$0x7FF] =	sst s3;
	s8 =	sand.u32 $0x1, s2  }
0x8: {  	s20 =	simm.s32 $0x0;
	s2 =	stileid.u32;
	s9 =	smul.u32 $0x140000, s8  }
0x9: {  	s4 =	sadd.s32 $0x10200, s7;
	s5 =	sadd.s32 $0xDA00, s7;
	s10 =	smul.u32 $0x14000, s2  }
0xa: {  	_ =	strace $0x8000004D;
	s11 =	sshll.u32 s2, $0x1;
	s12 =	smul.u32 $0x50000, s2  }
0xb: {  	s31 =	sshll.u32 s2, $0x6;
	s11 =	sor.u32 s8, s11;
	s8 =	ssub.s32 $0x2, s8  }
0xc: {  	s9 =	sadd.s32 s10, s9;
	s28 =	smul.u32 $0x500, s11;
	s29 =	sshrl.u32 s8, $0x1  }
0xd: {  	s30 =	sshrl.u32 s12, $0x2;
	s12 =	simm.s32 $0x2800;
	s9 =	sshrl.u32 s9, $0x3  }
0xe: {  	s11 =	ssub.s32 s8, s29;
	s14 =	sadd.s32 s30, s1;
	s8 =	sor.u32 $0x1C03, s31  }
0xf: {  	s9 =	sadd.s32 s9, s7;
	s13 =	sadd.s32 s28, s7;
	s6 =	sadd.s32 s6, s28  }
0x10: {  	s11 =	smax.u32 s11, $0x1;
	s7 =	sadd.s32 $0x37400, s13;
	s9 =	sadd.s32 $0x41400, s9  }
0x11: {  	v0 =	vimm.f32 $0.0e+00;
	v1 =	vimm.f32 $1.000000000e+00;
	s10 =	sadd.s32 $0x3A00, s13;
	s13 =	sshrl.u32 s14, $0x3;
	s14 =	simm.s32 $0x3  }
.LBB2_1:
0x12: {  	[tilespmem:s3], [sflag:$0x2] =	stream.linear.gather [hbm4b:s6+s3], $0x2780, $0x38;
	[tilespmem:$0x1F800] =	vst v63  }
0x13: {  	_ = 	snop  }
0x14: {  	[tilespmem:s12], [sflag:$0x2] =	stream.linear.gather [hbm4b:s7+s3], $0x2780, $0x38;
	[tilespmem:$0x1F800] =	vst v63  }
0x15: {  	[spmem:s13], [sflag:s8] =	dma.local [hbm:s5], $0x2800  }
0x16: {  	_ =	swait.ge [sflag:s14], $0x2800  }
0x17: {  	[sflag:s14] =	ssyncset.done $0x0  }
0x18: {  	s21 =	simm.s32 $0x40;
	s22 =	simm.s32 $0x0;
	[sflag:s14] =	ssyncadd.s32 $0xFFFFD800  }
.LBB2_2:
0x19: {  	p0 =	sne.s32 s21, $0x9FC0;
	[tilespmem:s22+$0x9000] =	vst v0;
	s22 =	smov.u32 s21;
	s21 =	sadd.s32 $0x40, s21  }
.Ltmp0:
0x1a: {  	(pc) =	sbr.rel @p0 .LBB2_2-.Ltmp0, $2  }
0x1b: {  	_ =	sdelay $0x2  }
0x1c: {  	s22 =	sshra.s32 s22, $0x2  }
0x1d: {  	[tilespmem:s22+$0x9000] =	vst v0  }
0x1e: {  	_ =	swait.ge [sflag:s15], $0x2780  }
0x1f: {  	[sflag:s15] =	ssyncset.done $0x0  }
0x20: {  	[sflag:s15] =	ssyncadd.s32 $0xFFFFD880  }
0x21: {  	_ =	swait.ge [sflag:s15], $0x2780  }
0x22: {  	[sflag:s15] =	ssyncset.done $0x0  }
0x23: {  	[sflag:s15] =	ssyncadd.s32 $0xFFFFD880  }
0x24: {  	s21 =	simm.s32 $0x0;
	[bflag:$0x0] =	sbarrier.arrive $0xFFFF  }
.LBB2_4:
0x25: {  	s22 =	sshra.s32 s21, $0x2  }
0x26: {  	[tilespmem:s17], [sflag:$0x1] =	stream.indirect.gather [hbm4b:s4+s16], $0x80, s22, s16, $0xb8;
	[tilespmem:$0x1F800] =	vst v63  }
0x27: {  	v2 =	vld [tilespmem:s22+$0x2800];
	_ =	sdelay $0x7  }
0x28: {  	[tilespmem:v2+s18+$0x0] =	vst.idx.add.f32.msk $0xffff, v1  }
0x29: {  	v2 =	vld [tilespmem:s22+$0x2810];
	_ =	sdelay $0x7  }
0x2a: {  	[tilespmem:v2+s18+$0x0] =	vst.idx.add.f32.msk $0xffff, v1  }
0x2b: {  	v2 =	vld [tilespmem:s22+$0x2820];
	_ =	sdelay $0x7  }
0x2c: {  	[tilespmem:v2+s18+$0x0] =	vst.idx.add.f32.msk $0xffff, v1  }
0x2d: {  	v2 =	vld [tilespmem:s22+$0x2830];
	_ =	sdelay $0x7  }
0x2e: {  	[tilespmem:v2+s18+$0x0] =	vst.idx.add.f32.msk $0xffff, v1  }
0x2f: {  	v2 =	vld [tilespmem:s22+$0x2840];
	_ =	sdelay $0x7  }
0x30: {  	[tilespmem:v2+s18+$0x0] =	vst.idx.add.f32.msk $0xffff, v1  }
0x31: {  	v2 =	vld [tilespmem:s22+$0x2850];
	_ =	sdelay $0x7  }
0x32: {  	[tilespmem:v2+s18+$0x0] =	vst.idx.add.f32.msk $0xffff, v1  }
0x33: {  	v2 =	vld [tilespmem:s22+$0x2860];
	_ =	sdelay $0x7  }
0x34: {  	[tilespmem:v2+s18+$0x0] =	vst.idx.add.f32.msk $0xffff, v1  }
0x35: {  	v2 =	vld [tilespmem:s22+$0x2870];
	_ =	sdelay $0x7  }
0x36: {  	[tilespmem:v2+s18+$0x0] =	vst.idx.add.f32.msk $0xffff, v1  }
0x37: {  	_ =	swait.ge [sflag:s19], $0x4000  }
0x38: {  	p0 =	sne.s32 s21, $0x9C00;
	[sflag:s19] =	ssyncset.done $0x0  }
.Ltmp1:
0x39: {  	s22 =	sadd.s32 $0x2800, s22;
	[sflag:s19] =	ssyncadd.s32 $0xFFFFC000;
	(pc) =	sbr.rel @p0 .LBB2_4-.Ltmp1, $4  }
0x3a: {  	[spmem:s1] =	stream.indirect.scatter.add.f32 [tilespmem:s17], [sflag:$0x3], $0x80, s22, s16, $0xb8;
	[tilespmem:$0x1F800] =	vst v63  }
0x3b: {  	_ =	swait.ge [sflag:s14], $0x4000  }
0x3c: {  	[sflag:s14] =	ssyncset.done $0x0  }
0x3d: {  	s21 =	sadd.s32 $0x200, s21;
	[sflag:s14] =	ssyncadd.s32 $0xFFFFC000  }
0x3e: {  	[bflag:$0x0] =	sbarrier.arrive $0xFFFF  }
0x3f: {  	[hbm:s9], [sflag:s8] =	dma.local [spmem:s13], $0x2800  }
0x40: {  	s20 =	sadd.s32 $0x1, s20;
	_ =	swait.ge [sflag:s14], $0x2800  }
0x41: {  	p0 =	sne.s32 s20, s11;
	[sflag:s14] =	ssyncset.done $0x0  }
.Ltmp2:
0x42: {  	[sflag:s14] =	ssyncadd.s32 $0xFFFFD800;
	(pc) =	sbr.rel @p0 .LBB2_1-.Ltmp2, $4  }
0x43: {  	[hbm4b:s10+s3] =	stream.linear.scatter [tilespmem:s18], [sflag:$0x3], $0x2800, $0x38;
	[tilespmem:$0x1F800] =	vst v63  }
0x44: {  	_ =	swait.ge [sflag:s14], $0x2800  }
0x45: {  	[sflag:s14] =	ssyncset.done $0x0  }
0x46: {  	[sflag:s14] =	ssyncadd.s32 $0xFFFFD800  }
0x47: {  	_ =	sfence.sel $0x180000  }
0x48: {  	[bflag:$0x0] =	sbarrier.arrive $0xFFFF  }
0x49: {  	p0 =	sne.s32 s2, $0x0;
	_ =	strace $0x9000004D  }
0x4a: {  	s0 =	sadd.s32 @!p0 $0x100000, s0;
	[bflag:$0x2] =	sbarrier.arrive $0xFFFF  }
0x4b: {  	[sflag:s0] =	ssyncadd.tile.s32 @!p0 $0x1;
	_ =	shalt  }
.Lfunc_end2:
_tile_overlayer_lowered:
.L_overlay_start_2:
0x4c: {  	(tag) =	ssettag $0x2  }
0x4d: {  	s0 =	rddreg [dreg:$0x0];
	s2 =	stileid.u32  }
0x4e: {  	s1 =	rddreg [dreg:$0x1];
	p0 =	sne.s32 s2, $0x0  }
0x4f: {  	s3 =	rddreg [dreg:$0x2];
	[bflag:$0x3] =	sbarrier.arrive $0xFFFF;
	s2 =	simm.s32 @!p0 $0x1C03  }
0x50: {  	[timem:s3], [sflag:s2] =	dma.local @!p0 [hbm:s0], s1  }
0x51: {  	s0 =	simm.s32 @!p0 $0x3  }
0x52: {  	_ =	swait.ge @!p0 [sflag:s0], s1  }
0x53: {  	s1 =	ssub.s32 @!p0 $0x0, s1;
	[sflag:s0] =	ssyncset.done @!p0 $0x0  }
0x54: {  	[sflag:s0] =	ssyncadd.s32 @!p0 s1  }
0x55: {  	[bflag:$0x3] =	sbarrier.arrive $0xFFFF  }
0x56: {  	_ =	shalt  }

// kernel: kernel.8.cloned.1.call-start
scs
__scs_entry_jumppad:
0x0: {  	(pc) =	sbr.rel $0x88, $3  }
0x1: {  	(tag) =	ssettag $0x0;
	lr =	simm.s32 $0x1  }
0x2: {  	[smem:$0x3F94] =	sst lr;
	_ =	strace $0xD0000000  }
0x3: {  	_ = 	snop  }
0x4: {  	_ = 	snop  }
0x5: {  	_ = 	snop  }
0x6: {  	_ = 	snop  }
0x7: {  	_ = 	snop  }
__scs_overlays_trampoline_lowered:
0x8: {  	[smem:$0x3FA3] =	sst s0  }
0x9: {  	[smem:$0x3FA4] =	sst s1  }
0xa: {  	[smem:$0x3FA5] =	sst s2  }
0xb: {  	[smem:$0x3FA6] =	sst s3  }
0xc: {  	[smem:$0x3FA7] =	sst s4  }
0xd: {  	[smem:$0x3FA8] =	sst s5  }
0xe: {  	[smem:$0x3FA9] =	sst s6  }
0xf: {  	[smem:$0x3FAA] =	sst s7  }
0x10: {  	[smem:$0x3FAB] =	sst s8  }
0x11: {  	[smem:$0x3FAC] =	sst s9;
	s0 =	simm.s32 @!p0 $0x0  }
0x12: {  	s1 =	sld [smem:$0x3F92];
	s0 =	simm.s32 @p0 $0x1  }
0x13: {  	[smem:$0x3FAD] =	sst s0;
	s0 =	simm.s32 @!p1 $0x0  }
0x14: {  	s2 =	sld [smem:$0x3F91];
	s0 =	simm.s32 @p1 $0x1  }
0x15: {  	[smem:$0x3FAE] =	sst s0;
	s0 =	simm.s32 @!p2 $0x0  }
0x16: {  	s3 =	sld [smem:$0x3FDB];
	s0 =	simm.s32 @p2 $0x1  }
0x17: {  	s4 =	simm.s32 $0x1BF5;
	[smem:$0x3FB0] =	sst s0  }
0x18: {  	s0 =	sld [smem:$0x3F93];
	_ =	swait.ge [sflag:s4], $0x0  }
0x19: {  	s7 =	sld [smem:$0x3F94]  }
0x1a: {  	s8 =	sadd.s32 $0xFFFFE003, lr  }
0x1b: {  	s9 =	sadd.s32 $0xFFFFFEF7, lr;
	s5 =	simm.s32 $0xFFFFFFFF;
	p2 =	slt.u32 s8, $0xFFFFF086  }
0x1c: {  	p1 =	slt.u32 s9, $0xF7A;
	s5 =	simm.s32 @!p2 $0x0  }
0x1d: {  	s5 =	simm.s32 @p1 $0x1;
	p0 =	seq.s32 s7, s2  }
0x1e: {  	s7 =	smul.u32 @!p0 $0xF7A, s2;
	p2 =	seq.s32 @!p0 s5, $0x0  }
0x1f: {  	s9 =	smul.u32 $0xF7A, s1;
	s8 =	simm.s32 @!p0 $0x1BF5;
	p2 =	por !p2, p0  }
0x20: {  	[sflag:s8] =	ssyncset.s32 @!p0 $0xFFFFF086;
	s6 =	sadd.s32 @!p0 s3, s7;
	s7 =	simm.s32 @!p0 $0x108  }
0x21: {  	s3 =	sadd.s32 s3, s9;
	s6 =	sadd.s32 @!p0 $0x88, s6;
	s7 =	simm.s32 @p2 $0x1082  }
0x22: {  	[simem:s7], [sflag:s8] =	dma.local @!p0 [hbm:s6], $0xF7A  }
0x23: {  	s9 =	sor.u32 $0xD0000000, s2;
	s6 =	simm.s32 $0x108;
	_ =	swait.ge @!p0 [sflag:s8], $0x0  }
0x24: {  	s3 =	sadd.s32 $0x88, s3;
	s6 =	simm.s32 @!p1 $0x1082;
	[sflag:s4] =	ssyncset.s32 $0xFFFFF086  }
0x25: {  	[simem:s6], [sflag:s4] =	dma.local [hbm:s3], $0xF7A  }
0x26: {  	[smem:$0x3F94] =	sst s1;
	(tag) =	ssettag s2;
	_ =	strace s9  }
0x27: {  	s1 =	sld [smem:$0x3FA4]  }
0x28: {  	s2 =	sld [smem:$0x3FA5]  }
0x29: {  	s4 =	sld [smem:$0x3FA7]  }
0x2a: {  	p0 =	seq.s32 s5, $0x0;
	s5 =	sld [smem:$0x3FA8]  }
0x2b: {  	s6 =	sld [smem:$0x3FA9]  }
0x2c: {  	s7 =	sld [smem:$0x3FAA]  }
0x2d: {  	s3 =	simm.s32 $0x108;
	s8 =	sld [smem:$0x3FAB]  }
0x2e: {  	s3 =	simm.s32 @!p0 $0x1082;
	s9 =	sld [smem:$0x3FAC]  }
0x2f: {  	lr =	sadd.s32 s0, s3;
	s0 =	sld [smem:$0x3FA3]  }
0x30: {  	s3 =	sld [smem:$0x3FA6]  }
0x31: {  	[smem:$0x3FAF] =	sst s10  }
0x32: {  	s10 =	sld [smem:$0x3FAD];
	_ =	sdelay $0x3  }
0x33: {  	p0 =	seq.s32 s10, $0x1;
	s10 =	sld [smem:$0x3FAF];
	_ =	sdelay $0x3  }
0x34: {  	[smem:$0x3FAF] =	sst s10  }
0x35: {  	s10 =	sld [smem:$0x3FAE];
	_ =	sdelay $0x3  }
0x36: {  	p1 =	seq.s32 s10, $0x1;
	s10 =	sld [smem:$0x3FAF];
	_ =	sdelay $0x3  }
0x37: {  	[smem:$0x3FAF] =	sst s10  }
0x38: {  	s10 =	sld [smem:$0x3FB0]  }
0x39: {  	_ = 	snop;
	(pc) =	sbr.ind lr, $3  }
0x3a: {  	_ = 	snop  }
0x3b: {  	_ = 	snop  }
0x3c: {  	p2 =	seq.s32 s10, $0x1;
	s10 =	sld [smem:$0x3FAF]  }
0x3d: {  	_ =	shalt  }
0x3e: {  	_ =	shalt  }
0x3f: {  	_ =	shalt  }
0x40: {  	_ =	shalt  }
0x41: {  	_ =	shalt  }
0x42: {  	_ =	shalt  }
0x43: {  	_ =	shalt  }
0x44: {  	_ =	shalt  }
0x45: {  	_ =	shalt  }
0x46: {  	_ =	shalt  }
0x47: {  	_ =	shalt  }
0x48: {  	_ =	shalt  }
0x49: {  	_ =	shalt  }
0x4a: {  	_ =	shalt  }
0x4b: {  	_ =	shalt  }
0x4c: {  	_ =	shalt  }
0x4d: {  	_ =	shalt  }
0x4e: {  	_ =	shalt  }
0x4f: {  	_ =	shalt  }
0x50: {  	_ =	shalt  }
0x51: {  	_ =	shalt  }
0x52: {  	_ =	shalt  }
0x53: {  	_ =	shalt  }
0x54: {  	_ =	shalt  }
0x55: {  	_ =	shalt  }
0x56: {  	_ =	shalt  }
0x57: {  	_ =	shalt  }
0x58: {  	_ =	shalt  }
0x59: {  	_ =	shalt  }
0x5a: {  	_ =	shalt  }
0x5b: {  	_ =	shalt  }
0x5c: {  	_ =	shalt  }
0x5d: {  	_ =	shalt  }
0x5e: {  	_ =	shalt  }
0x5f: {  	_ =	shalt  }
0x60: {  	_ =	shalt  }
0x61: {  	_ =	shalt  }
0x62: {  	_ =	shalt  }
0x63: {  	_ =	shalt  }
0x64: {  	_ =	shalt  }
0x65: {  	_ =	shalt  }
0x66: {  	_ =	shalt  }
0x67: {  	_ =	shalt  }
0x68: {  	_ =	shalt  }
0x69: {  	_ =	shalt  }
0x6a: {  	_ =	shalt  }
0x6b: {  	_ =	shalt  }
0x6c: {  	_ =	shalt  }
0x6d: {  	_ =	shalt  }
0x6e: {  	_ =	shalt  }
0x6f: {  	_ =	shalt  }
0x70: {  	_ =	shalt  }
0x71: {  	_ =	shalt  }
0x72: {  	_ =	shalt  }
0x73: {  	_ =	shalt  }
0x74: {  	_ =	shalt  }
0x75: {  	_ =	shalt  }
0x76: {  	_ =	shalt  }
0x77: {  	_ =	shalt  }
0x78: {  	_ =	shalt  }
0x79: {  	_ =	shalt  }
0x7a: {  	_ =	shalt  }
0x7b: {  	_ =	shalt  }
0x7c: {  	_ =	shalt  }
0x7d: {  	_ =	shalt  }
0x7e: {  	_ =	shalt  }
0x7f: {  	_ =	shalt  }
0x80: {  	_ =	shalt  }
0x81: {  	_ =	shalt  }
0x82: {  	_ =	shalt  }
0x83: {  	_ =	shalt  }
0x84: {  	_ =	shalt  }
0x85: {  	_ =	shalt  }
0x86: {  	_ =	shalt  }
0x87: {  	_ =	shalt  }
.Lfunc_end0:
.L_simem_size_0:
called_computation_lowered:
.L_overlay_start_0:
0x88: {  	s2 =	sld [smem:$0x3FD9]  }
0x89: {  	s3 =	sld [smem:$0x3FFE];
	_ =	sdelay $0x1  }
0x8a: {  	s1 =	srdreg.scid  }
0x8b: {  	s0 =	sand.u32 $0x1, s1  }
0x8c: {  	s17 =	sshll.u32 s0, $0xA;
	s2 =	sadd.s32 s3, s2  }
0x8d: {  	s2 =	sadd.s32 s2, s17  }
0x8e: {  	[smem:$0x3FBB] =	sst s2  }
0x8f: {  	_ = 	snop  }
0x90: {  	s2 =	sld [smem:$0x3FC9]  }
0x91: {  	s18 =	sld [smem:$0x3FD0];
	(tm) =	ssettm $0x1  }
0x92: {  	s4 =	sld [smem:$0x3FFB];
	_ =	sdelay $0x3  }
0x93: {  	_ =	strace s4  }
0x94: {  	s4 =	sld [smem:$0x3FFC];
	_ =	sdelay $0x3  }
0x95: {  	_ =	strace s4  }
0x96: {  	s4 =	sld [smem:$0x3FFD];
	_ =	sdelay $0x3  }
0x97: {  	_ =	strace s4  }
0x98: {  	_ =	strace $0x8FFFFFFF  }
0x99: {  	s19 =	sld [smem:$0x3FDB];
	_ =	sdelay $0x1  }
0x9a: {  	s5 =	simm.s32 $_scs_section_size  }
0x9b: {  	s6 =	simm.s32 $_size__tile_overlayer_lowered;
	s7 =	simm.s32 $_tile_overlayer_lowered  }
0x9c: {  	s22 =	simm.s32 $0x1BFF;
	s21 =	sshll.u32 s7, $0x1;
	s4 =	sadd.s32 s5, s19  }
0x9d: {  	s8 =	simm.s32 $0x0;
	s20 =	sshll.u32 s6, $0x1;
	s6 =	sadd.s32 s21, s4  }
0x9e: {  	[timem:s8], [sflag:s22] =	dma.local [hbm:s6], s20  }
0x9f: {  	_ =	swait.ge [sflag:s22], s20  }
0xa0: {  	s5 =	ssub.s32 $0x0, s20;
	[sflag:s22] =	ssyncset.done $0x0  }
0xa1: {  	[sflag:s22] =	ssyncadd.s32 s5;
	_ =	sdelay $0x1  }
0xa2: {  	s23 =	simm.s32 $0x1B8B  }
0xa3: {  	_ =	swait.ge [sflag:s23], $0x1  }
0xa4: {  	[sflag:s23] =	ssyncset.done $0x0  }
0xa5: {  	s25 =	simm.s32 $0x1B8E;
	s24 =	sld [smem:$0x3FFE];
	[sflag:s23] =	ssyncadd.s32 $0xFFFFFFFF  }
0xa6: {  	s26 =	simm.s32 $execute0_lowered;
	[smem:$0x3FD2] =	sst s25  }
0xa7: {  	s6 =	sshll.u32 s26, $0x1;
	_ =	strace $0x80000046;
	[dreg:$0x1] =	wrdreg $0xFFFFFFFF  }
0xa8: {  	s28 =	simm.s32 $_size_execute0_lowered;
	s4 =	sadd.s32 s4, s6;
	[dreg:$0x0] =	wrdreg $0x0  }
0xa9: {  	s6 =	sshll.u32 s28, $0x1;
	[dreg:$0x2] =	wrdreg s4  }
0xaa: {  	[dreg:$0x3] =	wrdreg s6  }
0xab: {  	[dreg:$0x4] =	wrdreg $0xC0  }
0xac: {  	_ =	task [dreg:s8], $0x5FFFF  }
0xad: {  	[dreg:$0x1] =	wrdreg $0xFFFFFFFF  }
0xae: {  	[dreg:$0x0] =	wrdreg $0x60  }
0xaf: {  	[dreg:$0x2] =	wrdreg s18  }
0xb0: {  	[dreg:$0x3] =	wrdreg s24  }
0xb1: {  	[dreg:$0x4] =	wrdreg s2  }
0xb2: {  	[dreg:$0x5] =	wrdreg $0xB8000  }
0xb3: {  	[dreg:$0x6] =	wrdreg $0x9  }
0xb4: {  	_ =	task.clear_ibuf [dreg:s8], $0x7FFFF;
	_ =	strace $0x90000046  }
0xb5: {  	s29 =	simm.s32 $0x9;
	_ =	strace $0x80000048  }
0xb6: {  	_ =	swait.ge [sflag:s29], $0x1  }
0xb7: {  	[sflag:s29] =	ssyncadd.s32 $0xFFFFFFFF  }
0xb8: {  	_ =	strace $0x90000048  }
0xb9: {  	_ =	sfence  }
0xba: {  	s30 =	sld [smem:$0x0];
	_ =	sdelay $0x2  }
0xbb: {  	s31 =	sshll.u32 s1, $0xD;
	s1 =	sshrl.u32 s1, $0x2  }
0xbc: {  	s3 =	sand.u32 $0x4000, s31;
	s1 =	sadd.s32 s1, s30  }
0xbd: {  	s0 =	sor.u32 s3, s0;
	s1 =	sshll.u32 s1, $0x11  }
0xbe: {  	s0 =	sor.u32 s1, s0  }
0xbf: {  	s0 =	sadd.s32 $0x8F2B, s0  }
0xc0: {  	[sflag:s0] =	ssyncadd.remote.s32 $0x1  }
0xc1: {  	_ =	sfence.sel $0xFFFF  }
0xc2: {  	[dreg:$0x0] =	wrdreg $0xFFFFFFFF;
	(pc) =	sbr.abs _section_cstart, $3  }
0xc3: {  	[dreg:$0x1] =	wrdreg $0xFFFFFFFF  }
0xc4: {  	_ =	task.clear_ibuf [dreg:s8], $0x2FFFF;
	_ =	strace $0x9FFFFFFF  }
0xc5: {  	(tm) =	ssettm $0x7FFFFFFF  }
tec
execute0_lowered:
.L_overlay_start_1:
0x0: {  	(tag) =	ssettag $0x1  }
0x1: {  	s6 =	rddreg [dreg:$0x0]  }
0x2: {  	s7 =	rddreg [dreg:$0x1]  }
0x3: {  	s1 =	rddreg [dreg:$0x2]  }
0x4: {  	s2 =	rddreg [dreg:$0x3]  }
0x5: {  	s3 =	srdreg.scid;
	s0 =	rddreg [dreg:$0x4];
	s4 =	simm.s32 $0x0  }
0x6: {  	s15 =	simm.s32 $0x2;
	s16 =	simm.s32 $0x80;
	s17 =	simm.s32 $0x5000  }
0x7: {  	s18 =	simm.s32 $0x9000;
	s19 =	simm.s32 $0x1;
	s8 =	sand.u32 $0x1, s3  }
0x8: {  	s20 =	simm.s32 $0x0;
	s3 =	stileid.u32;
	s9 =	smul.u32 $0x140000, s8  }
0x9: {  	[smem:$0x7FF] =	sst s4;
	s5 =	sadd.s32 $0xDA00, s7;
	s10 =	smul.u32 $0x14000, s3  }
0xa: {  	s11 =	sshll.u32 s3, $0x1;
	_ =	strace $0x80000047;
	s12 =	smul.u32 $0x50000, s3  }
0xb: {  	s31 =	sshll.u32 s3, $0x6;
	s11 =	sor.u32 s8, s11;
	s8 =	ssub.s32 $0x2, s8  }
0xc: {  	s9 =	sadd.s32 s10, s9;
	s28 =	smul.u32 $0x500, s11;
	s29 =	sshrl.u32 s8, $0x1  }
0xd: {  	s30 =	sshrl.u32 s12, $0x2;
	s12 =	simm.s32 $0x2800;
	s9 =	sshrl.u32 s9, $0x3  }
0xe: {  	s11 =	ssub.s32 s8, s29;
	s14 =	sadd.s32 s30, s2;
	s8 =	sor.u32 $0x1C03, s31  }
0xf: {  	s9 =	sadd.s32 s9, s7;
	s13 =	sadd.s32 s28, s7;
	s6 =	sadd.s32 s6, s28  }
0x10: {  	s11 =	smax.u32 s11, $0x1;
	s7 =	sadd.s32 $0x3A00, s13;
	s9 =	sadd.s32 $0x10200, s9  }
0x11: {  	v0 =	vimm.f32 $0.0e+00;
	v1 =	vimm.f32 $1.000000000e+00;
	s10 =	sadd.s32 $0x60200, s13;
	s13 =	sshrl.u32 s14, $0x3;
	s14 =	simm.s32 $0x3  }
.LBB2_1:
0x12: {  	[tilespmem:s4], [sflag:$0x2] =	stream.linear.gather [hbm4b:s6+s4], $0x2780, $0x38;
	[tilespmem:$0x1F800] =	vst v63  }
0x13: {  	_ = 	snop  }
0x14: {  	[tilespmem:s12], [sflag:$0x2] =	stream.linear.gather [hbm4b:s7+s4], $0x2780, $0x38;
	[tilespmem:$0x1F800] =	vst v63  }
0x15: {  	[spmem:s13], [sflag:s8] =	dma.local [hbm:s5], $0x2800  }
0x16: {  	_ =	swait.ge [sflag:s14], $0x2800  }
0x17: {  	[sflag:s14] =	ssyncset.done $0x0  }
0x18: {  	s21 =	simm.s32 $0x40;
	s22 =	simm.s32 $0x0;
	[sflag:s14] =	ssyncadd.s32 $0xFFFFD800  }
.LBB2_2:
0x19: {  	p0 =	sne.s32 s21, $0x9FC0;
	[tilespmem:s22+$0x9000] =	vst v0;
	s22 =	smov.u32 s21;
	s21 =	sadd.s32 $0x40, s21  }
.Ltmp0:
0x1a: {  	(pc) =	sbr.rel @p0 .LBB2_2-.Ltmp0, $2  }
0x1b: {  	_ =	sdelay $0x2  }
0x1c: {  	s22 =	sshra.s32 s22, $0x2  }
0x1d: {  	[tilespmem:s22+$0x9000] =	vst v0  }
0x1e: {  	_ =	swait.ge [sflag:s15], $0x2780  }
0x1f: {  	[sflag:s15] =	ssyncset.done $0x0  }
0x20: {  	[sflag:s15] =	ssyncadd.s32 $0xFFFFD880  }
0x21: {  	_ =	swait.ge [sflag:s15], $0x2780  }
0x22: {  	[sflag:s15] =	ssyncset.done $0x0  }
0x23: {  	[sflag:s15] =	ssyncadd.s32 $0xFFFFD880  }
0x24: {  	s21 =	simm.s32 $0x0;
	[bflag:$0x0] =	sbarrier.arrive $0xFFFF  }
.LBB2_4:
0x25: {  	s22 =	sshra.s32 s21, $0x2  }
0x26: {  	[tilespmem:s17], [sflag:$0x1] =	stream.indirect.gather [hbm4b:s1+s16], $0x80, s22, s16, $0xb8;
	[tilespmem:$0x1F800] =	vst v63  }
0x27: {  	v2 =	vld [tilespmem:s22+$0x2800];
	_ =	sdelay $0x7  }
0x28: {  	[tilespmem:v2+s18+$0x0] =	vst.idx.add.f32.msk $0xffff, v1  }
0x29: {  	v2 =	vld [tilespmem:s22+$0x2810];
	_ =	sdelay $0x7  }
0x2a: {  	[tilespmem:v2+s18+$0x0] =	vst.idx.add.f32.msk $0xffff, v1  }
0x2b: {  	v2 =	vld [tilespmem:s22+$0x2820];
	_ =	sdelay $0x7  }
0x2c: {  	[tilespmem:v2+s18+$0x0] =	vst.idx.add.f32.msk $0xffff, v1  }
0x2d: {  	v2 =	vld [tilespmem:s22+$0x2830];
	_ =	sdelay $0x7  }
0x2e: {  	[tilespmem:v2+s18+$0x0] =	vst.idx.add.f32.msk $0xffff, v1  }
0x2f: {  	v2 =	vld [tilespmem:s22+$0x2840];
	_ =	sdelay $0x7  }
0x30: {  	[tilespmem:v2+s18+$0x0] =	vst.idx.add.f32.msk $0xffff, v1  }
0x31: {  	v2 =	vld [tilespmem:s22+$0x2850];
	_ =	sdelay $0x7  }
0x32: {  	[tilespmem:v2+s18+$0x0] =	vst.idx.add.f32.msk $0xffff, v1  }
0x33: {  	v2 =	vld [tilespmem:s22+$0x2860];
	_ =	sdelay $0x7  }
0x34: {  	[tilespmem:v2+s18+$0x0] =	vst.idx.add.f32.msk $0xffff, v1  }
0x35: {  	v2 =	vld [tilespmem:s22+$0x2870];
	_ =	sdelay $0x7  }
0x36: {  	[tilespmem:v2+s18+$0x0] =	vst.idx.add.f32.msk $0xffff, v1  }
0x37: {  	_ =	swait.ge [sflag:s19], $0x4000  }
0x38: {  	p0 =	sne.s32 s21, $0x9C00;
	[sflag:s19] =	ssyncset.done $0x0  }
.Ltmp1:
0x39: {  	s22 =	sadd.s32 $0x2800, s22;
	[sflag:s19] =	ssyncadd.s32 $0xFFFFC000;
	(pc) =	sbr.rel @p0 .LBB2_4-.Ltmp1, $4  }
0x3a: {  	[spmem:s2] =	stream.indirect.scatter.add.f32 [tilespmem:s17], [sflag:$0x3], $0x80, s22, s16, $0xb8;
	[tilespmem:$0x1F800] =	vst v63  }
0x3b: {  	_ =	swait.ge [sflag:s14], $0x4000  }
0x3c: {  	[sflag:s14] =	ssyncset.done $0x0  }
0x3d: {  	s21 =	sadd.s32 $0x200, s21;
	[sflag:s14] =	ssyncadd.s32 $0xFFFFC000  }
0x3e: {  	[bflag:$0x0] =	sbarrier.arrive $0xFFFF  }
0x3f: {  	[hbm:s9], [sflag:s8] =	dma.local [spmem:s13], $0x2800  }
0x40: {  	s20 =	sadd.s32 $0x1, s20;
	_ =	swait.ge [sflag:s14], $0x2800  }
0x41: {  	p0 =	sne.s32 s20, s11;
	[sflag:s14] =	ssyncset.done $0x0  }
.Ltmp2:
0x42: {  	[sflag:s14] =	ssyncadd.s32 $0xFFFFD800;
	(pc) =	sbr.rel @p0 .LBB2_1-.Ltmp2, $4  }
0x43: {  	[hbm4b:s10+s4] =	stream.linear.scatter [tilespmem:s18], [sflag:$0x3], $0x2800, $0x38;
	[tilespmem:$0x1F800] =	vst v63  }
0x44: {  	_ =	swait.ge [sflag:s14], $0x2800  }
0x45: {  	[sflag:s14] =	ssyncset.done $0x0  }
0x46: {  	[sflag:s14] =	ssyncadd.s32 $0xFFFFD800  }
0x47: {  	_ =	sfence.sel $0x180000  }
0x48: {  	[bflag:$0x0] =	sbarrier.arrive $0xFFFF  }
0x49: {  	p0 =	sne.s32 s3, $0x0;
	_ =	strace $0x90000047  }
0x4a: {  	s0 =	sadd.s32 @!p0 $0x100000, s0;
	[bflag:$0x2] =	sbarrier.arrive $0xFFFF  }
0x4b: {  	[sflag:s0] =	ssyncadd.tile.s32 @!p0 $0x1;
	_ =	shalt  }
.Lfunc_end2:
_tile_overlayer_lowered:
.L_overlay_start_2:
0x4c: {  	(tag) =	ssettag $0x2  }
0x4d: {  	s0 =	rddreg [dreg:$0x0];
	s2 =	stileid.u32  }
0x4e: {  	s1 =	rddreg [dreg:$0x1];
	p0 =	sne.s32 s2, $0x0  }
0x4f: {  	s3 =	rddreg [dreg:$0x2];
	[bflag:$0x3] =	sbarrier.arrive $0xFFFF;
	s2 =	simm.s32 @!p0 $0x1C03  }
0x50: {  	[timem:s3], [sflag:s2] =	dma.local @!p0 [hbm:s0], s1  }
0x51: {  	s0 =	simm.s32 @!p0 $0x3  }
0x52: {  	_ =	swait.ge @!p0 [sflag:s0], s1  }
0x53: {  	s1 =	ssub.s32 @!p0 $0x0, s1;
	[sflag:s0] =	ssyncset.done @!p0 $0x0  }
0x54: {  	[sflag:s0] =	ssyncadd.s32 @!p0 s1  }
0x55: {  	[bflag:$0x3] =	sbarrier.arrive $0xFFFF  }
0x56: {  	_ =	shalt  }

</sc_bundles>
